<compile_context>
chip_gen: v7x
topology: tpu7x:2x2x1
jax: 0.10.2.dev20260603
libtpu: 0.0.44.dev20260713+nightly
codegen_flags: <defaults>
</compile_context>

<pallas_src>
import functools

import jax
import jax.numpy as jnp
from jax import lax
from jax.experimental import pallas as pl
from jax.experimental.pallas import tpu as pltpu
from jax.experimental.pallas import tpu_sc as plsc

_BATCH = 16384
_ED = 32
_LANES = 128

_NC, _NS = 2, 16
_NW = _NC * _NS
_BPW = _BATCH // _NW
_HALF = _BPW // 2
_CHUNK = 128

_MLP_BLOCK = 4096


def _gather2(ia, ib, table):
    mesh = plsc.VectorSubcoreMesh(core_axis_name="c", subcore_axis_name="s")
    out = jax.ShapeDtypeStruct((_BATCH, _LANES), jnp.float32)
    fp = jnp.float32

    @functools.partial(
        pl.kernel, out_type=(out, out), mesh=mesh,
        scratch_types=[
            pltpu.VMEM((_BPW,), jnp.int32), pltpu.VMEM((_BPW,), jnp.int32),
            pltpu.VMEM((_HALF, _LANES), fp), pltpu.VMEM((_HALF, _LANES), fp),
            pltpu.SemaphoreType.DMA, pltpu.SemaphoreType.DMA,
            pltpu.SemaphoreType.DMA, pltpu.SemaphoreType.DMA,
        ])
    def gather_kernel(ia_hbm, ib_hbm, t_hbm, oa_hbm, ob_hbm,
                      iva, ivb, rows0, rows1, sg0, sg1, sw0, sw1):
        wid = lax.axis_index("s") * _NC + lax.axis_index("c")
        base = wid * _BPW
        i_hbms = (ia_hbm, ib_hbm)
        o_hbms = (oa_hbm, ob_hbm)
        ivs = (iva, ivb)
        rows = (rows0, rows1)
        sgs = (sg0, sg1)
        sws = (sw0, sw1)
        for k in range(2):
            pltpu.sync_copy(i_hbms[k].at[pl.ds(base, _BPW)], ivs[k])
        wdescs = []
        items = [(k, h) for k in range(2) for h in range(2)]
        for i, (k, h) in enumerate(items):
            b = i % 2
            if i >= 2:
                wdescs[i - 2].wait()
            gd = []
            for c in range(_HALF // _CHUNK):
                isl = pl.ds(h * _HALF + c * _CHUNK, _CHUNK)
                gd.append(pltpu.async_copy(
                    t_hbm.at[ivs[k].at[isl]],
                    rows[b].at[pl.ds(c * _CHUNK, _CHUNK)], sgs[b]))
            for d in gd:
                d.wait()
            wdescs.append(pltpu.async_copy(
                rows[b], o_hbms[k].at[pl.ds(base + h * _HALF, _HALF)], sws[b]))
        wdescs[-2].wait()
        wdescs[-1].wait()

    return gather_kernel(ia, ib, table)


def _mlp_partial_body(e1_ref, e2_ref, w1_ref, b1_ref, h_ref):
    h = b1_ref[...]
    h = h + jnp.dot(e1_ref[:, 0:_ED], w1_ref[_ED:2 * _ED, :],
                    preferred_element_type=jnp.float32)
    h = h + jnp.dot(e2_ref[:, _ED:2 * _ED], w1_ref[2 * _ED:3 * _ED, :],
                    preferred_element_type=jnp.float32)
    h_ref[...] = h


def _mlp_final_body(h_ref, e0_ref, e3_ref, w1_ref, w2_ref, b2_ref, o_ref):
    h = h_ref[...]
    h = h + jnp.dot(e0_ref[:, 0:_ED], w1_ref[0:_ED, :],
                    preferred_element_type=jnp.float32)
    h = h + jnp.dot(e3_ref[:, _ED:2 * _ED], w1_ref[3 * _ED:4 * _ED, :],
                    preferred_element_type=jnp.float32)
    h = jnp.maximum(h, 0.0)
    o_ref[...] = jnp.dot(h, w2_ref[...],
                         preferred_element_type=jnp.float32) + b2_ref[...]


def _mlp(es1, es2, eb0, eb3, W1, b1, W2, b2):
    full = lambda i: (0, 0)
    espec = lambda: pl.BlockSpec((_MLP_BLOCK, _LANES), lambda i: (i, 0))
    hspec = pl.BlockSpec((_MLP_BLOCK, 64), lambda i: (i, 0))
    grid = (_BATCH // _MLP_BLOCK,)
    h0 = pl.pallas_call(
        _mlp_partial_body,
        grid=grid,
        in_specs=[espec(), espec(),
                  pl.BlockSpec((128, 64), full),
                  pl.BlockSpec((1, 64), full)],
        out_specs=hspec,
        out_shape=jax.ShapeDtypeStruct((_BATCH, 64), jnp.float32),
    )(es1, es2, W1, b1.reshape(1, 64))
    return pl.pallas_call(
        _mlp_final_body,
        grid=grid,
        in_specs=[hspec, espec(), espec(),
                  pl.BlockSpec((128, 64), full),
                  pl.BlockSpec((64, 32), full),
                  pl.BlockSpec((1, 32), full)],
        out_specs=pl.BlockSpec((_MLP_BLOCK, 32), lambda i: (i, 0)),
        out_shape=jax.ShapeDtypeStruct((_BATCH, 32), jnp.float32),
    )(h0, eb0, eb3, W1, W2, b2.reshape(1, 32))


def kernel(room_id, hotel, room_type, room_name,
           room_table, hotel_table, room_type_table, room_name_table,
           W1, b1, W2, b2):
    def combo(ta, tb):
        z = jnp.zeros((ta.shape[0], _LANES - 2 * _ED), jnp.float32)
        return jnp.concatenate([ta, tb, z], axis=1)

    es1, es2 = _gather2(hotel, room_type, combo(hotel_table, room_type_table))
    eb0, eb3 = _gather2(room_id, room_name, combo(room_table, room_name_table))
    return _mlp(es1, es2, eb0, eb3, W1, b1, W2, b2)

# --- scband reference (transcript-rebuilt; emitter-appended) ---
"""Pipeline reference for scband-candidate-model-49005576848103 (READ-ONLY COPY).

The authoritative reference and input builder live on the scoring server;
editing this copy changes nothing except your own understanding.
"""

import jax, jax.numpy as jnp
import numpy as np

ROOM_VOCAB = 100000
HOTEL_VOCAB = 1000
ROOM_TYPE_VOCAB = 1000
ROOM_NAME_VOCAB = 100000
EMBED_DIM = 32
BATCH = 16384
LAYER_SIZES = [64, 32]


def setup_inputs(seed: int = 0) -> dict:
    key = jax.random.key(seed)
    ks = jax.random.split(key, 12)
    # StringLookup maps strings -> int ids in [0, vocab]; we model post-lookup int indices.
    room_id = jax.random.randint(ks[0], (BATCH,), 0, ROOM_VOCAB + 1, dtype=jnp.int32)
    hotel = jax.random.randint(ks[1], (BATCH,), 0, HOTEL_VOCAB + 1, dtype=jnp.int32)
    room_type = jax.random.randint(ks[2], (BATCH,), 0, ROOM_TYPE_VOCAB + 1, dtype=jnp.int32)
    room_name = jax.random.randint(ks[3], (BATCH,), 0, ROOM_NAME_VOCAB + 1, dtype=jnp.int32)
    # Embedding tables (vocab + 1 rows, matching keras Embedding(len(vocab)+1, 32))
    room_table = jax.random.normal(ks[4], (ROOM_VOCAB + 1, EMBED_DIM), dtype=jnp.float32) * 0.05
    hotel_table = jax.random.normal(ks[5], (HOTEL_VOCAB + 1, EMBED_DIM), dtype=jnp.float32) * 0.05
    room_type_table = jax.random.normal(ks[6], (ROOM_TYPE_VOCAB + 1, EMBED_DIM), dtype=jnp.float32) * 0.05
    room_name_table = jax.random.normal(ks[7], (ROOM_NAME_VOCAB + 1, EMBED_DIM), dtype=jnp.float32) * 0.05
    concat_dim = 4 * EMBED_DIM
    W1 = jax.random.normal(ks[8], (concat_dim, LAYER_SIZES[0]), dtype=jnp.float32) * (1.0 / np.sqrt(concat_dim))
    b1 = jnp.zeros((LAYER_SIZES[0],), dtype=jnp.float32)
    W2 = jax.random.normal(ks[9], (LAYER_SIZES[0], LAYER_SIZES[1]), dtype=jnp.float32) * (1.0 / np.sqrt(LAYER_SIZES[0]))
    b2 = jnp.zeros((LAYER_SIZES[1],), dtype=jnp.float32)
    return {
        "room_id": room_id,
        "hotel": hotel,
        "room_type": room_type,
        "room_name": room_name,
        "room_table": room_table,
        "hotel_table": hotel_table,
        "room_type_table": room_type_table,
        "room_name_table": room_name_table,
        "W1": W1,
        "b1": b1,
        "W2": W2,
        "b2": b2,
    }


def reference(room_id, hotel, room_type, room_name,
              room_table, hotel_table, room_type_table, room_name_table,
              W1, b1, W2, b2):
    # RoomModel: 4 embedding lookups + concat (axis=1)
    e_room = jnp.take(room_table, room_id, axis=0)
    e_hotel = jnp.take(hotel_table, hotel, axis=0)
    e_rtype = jnp.take(room_type_table, room_type, axis=0)
    e_rname = jnp.take(room_name_table, room_name, axis=0)
    feat = jnp.concatenate([e_room, e_hotel, e_rtype, e_rname], axis=1)
    # Dense tower: Dense(64, relu) -> Dense(32)
    h = jax.nn.relu(feat @ W1 + b1)
    out = h @ W2 + b2
    return out

if __name__ == "__main__":
    import jax
    _d = setup_inputs()
    print(jax.jit(kernel)(*tuple(_d.values())))

</pallas_src>

<mosaic_0001>
#map = affine_map<(d0, d1) -> (0)>
#map1 = affine_map<(d0, d1) -> (0, 0)>
module attributes {stable_mosaic.version = 14 : i64} {
  func.func @gather_kernel(%arg0: i32, %arg1: i32, %arg2: memref<16384xi32, #tpu.memory_space<hbm>>, %arg3: memref<16384xi32, #tpu.memory_space<hbm>>, %arg4: memref<100001x128xf32, #tpu.memory_space<hbm>>, %arg5: memref<16384x128xf32, #tpu.memory_space<hbm>>, %arg6: memref<16384x128xf32, #tpu.memory_space<hbm>>, %arg7: memref<512xi32, #tpu.memory_space<vmem>>, %arg8: memref<512xi32, #tpu.memory_space<vmem>>, %arg9: memref<256x128xf32, #tpu.memory_space<vmem>>, %arg10: memref<256x128xf32, #tpu.memory_space<vmem>>, %arg11: memref<!tpu.dma_semaphore, #tpu.memory_space<semaphore_mem>>, %arg12: memref<!tpu.dma_semaphore, #tpu.memory_space<semaphore_mem>>, %arg13: memref<!tpu.dma_semaphore, #tpu.memory_space<semaphore_mem>>, %arg14: memref<!tpu.dma_semaphore, #tpu.memory_space<semaphore_mem>>) attributes {dimension_semantics = [#tpu.dimension_semantics<core_parallel>, #tpu.dimension_semantics<subcore_parallel>], iteration_bounds = array<i64: 2, 16>, scalar_prefetch = 0 : i64, scratch_operands = 8 : i64, tpu.core_type = #tpu.core_type<sc_vector_subcore>, window_params = [{transform_indices = #map}, {transform_indices = #map}, {transform_indices = #map1}, {transform_indices = #map1}, {transform_indices = #map1}]} {
    %mul3A = arith.constant 2 : i32
    %mul3A_0 = arith.muli %arg1, %mul3A : i32
    %add3A = arith.addi %mul3A_0, %arg0 : i32
    %mul3A_1 = arith.constant 512 : i32
    %mul3A_2 = arith.muli %add3A, %mul3A_1 : i32
    "tpu.region"() ({
      %run_scoped3A = tpu.sem_alloc : memref<!tpu.dma_semaphore, #tpu.memory_space<semaphore_mem>>
      %dma_start3A_169 = tpu.memref_slice %arg2[%mul3A_2] : memref<16384xi32, #tpu.memory_space<hbm>> -> memref<512xi32, #tpu.memory_space<hbm>>
      %dma_start3A_170 = tpu.memref_slice %arg2[%mul3A_2] : memref<16384xi32, #tpu.memory_space<hbm>> -> memref<512xi32, #tpu.memory_space<hbm>>
      tpu.enqueue_dma source(%dma_start3A_170 : memref<512xi32, #tpu.memory_space<hbm>>) target(%arg7 : memref<512xi32, #tpu.memory_space<vmem>>) target_semaphore(%run_scoped3A : memref<!tpu.dma_semaphore, #tpu.memory_space<semaphore_mem>>)
      %dma_wait3A_171 = tpu.memref_slice %arg2[%mul3A_2] : memref<16384xi32, #tpu.memory_space<hbm>> -> memref<512xi32, #tpu.memory_space<hbm>>
      %dma_wait3A_172 = tpu.memref_slice %arg2[%mul3A_2] : memref<16384xi32, #tpu.memory_space<hbm>> -> memref<512xi32, #tpu.memory_space<hbm>>
      tpu.wait_dma2 semaphore(%run_scoped3A : memref<!tpu.dma_semaphore, #tpu.memory_space<semaphore_mem>>) src(%dma_wait3A_172 : memref<512xi32, #tpu.memory_space<hbm>>) dst(%arg7 : memref<512xi32, #tpu.memory_space<vmem>>)
      tpu.yield
    }) : () -> ()
    "tpu.region"() ({
      %run_scoped3A = tpu.sem_alloc : memref<!tpu.dma_semaphore, #tpu.memory_space<semaphore_mem>>
      %dma_start3A_169 = tpu.memref_slice %arg3[%mul3A_2] : memref<16384xi32, #tpu.memory_space<hbm>> -> memref<512xi32, #tpu.memory_space<hbm>>
      %dma_start3A_170 = tpu.memref_slice %arg3[%mul3A_2] : memref<16384xi32, #tpu.memory_space<hbm>> -> memref<512xi32, #tpu.memory_space<hbm>>
      tpu.enqueue_dma source(%dma_start3A_170 : memref<512xi32, #tpu.memory_space<hbm>>) target(%arg8 : memref<512xi32, #tpu.memory_space<vmem>>) target_semaphore(%run_scoped3A : memref<!tpu.dma_semaphore, #tpu.memory_space<semaphore_mem>>)
      %dma_wait3A_171 = tpu.memref_slice %arg3[%mul3A_2] : memref<16384xi32, #tpu.memory_space<hbm>> -> memref<512xi32, #tpu.memory_space<hbm>>
      %dma_wait3A_172 = tpu.memref_slice %arg3[%mul3A_2] : memref<16384xi32, #tpu.memory_space<hbm>> -> memref<512xi32, #tpu.memory_space<hbm>>
      tpu.wait_dma2 semaphore(%run_scoped3A : memref<!tpu.dma_semaphore, #tpu.memory_space<semaphore_mem>>) src(%dma_wait3A_172 : memref<512xi32, #tpu.memory_space<hbm>>) dst(%arg8 : memref<512xi32, #tpu.memory_space<vmem>>)
      tpu.yield
    }) : () -> ()
    %dma_start3A = arith.constant 0 : i32
    %dma_start3A_3 = arith.constant 0 : i32
    %dma_start3A_4 = tpu.memref_slice %arg9[%dma_start3A, %dma_start3A_3] : memref<256x128xf32, #tpu.memory_space<vmem>> -> memref<128x128xf32, #tpu.memory_space<vmem>>
    %dma_start3A_5 = arith.constant 0 : i32
    %dma_start3A_6 = tpu.memref_slice %arg7[%dma_start3A_5] : memref<512xi32, #tpu.memory_space<vmem>> -> memref<128xi32, #tpu.memory_space<vmem>>
    %dma_start3A_7 = arith.constant 0 : i32
    %dma_start3A_8 = arith.constant 0 : i32
    %dma_start3A_9 = tpu.memref_slice %arg4[%dma_start3A_7, %dma_start3A_8] : memref<100001x128xf32, #tpu.memory_space<hbm>> -> memref<100001x128xf32, #tpu.memory_space<hbm>>
    tpu.enqueue_indirect_dma source(%dma_start3A_9 : memref<100001x128xf32, #tpu.memory_space<hbm>>) target(%dma_start3A_4 : memref<128x128xf32, #tpu.memory_space<vmem>>) offsets(%dma_start3A_6 : memref<128xi32, #tpu.memory_space<vmem>>) semaphore(%arg11 : memref<!tpu.dma_semaphore, #tpu.memory_space<semaphore_mem>>)
    %dma_start3A_10 = arith.constant 128 : i32
    %dma_start3A_11 = arith.constant 0 : i32
    %dma_start3A_12 = tpu.memref_slice %arg9[%dma_start3A_10, %dma_start3A_11] : memref<256x128xf32, #tpu.memory_space<vmem>> -> memref<128x128xf32, #tpu.memory_space<vmem>>
    %dma_start3A_13 = arith.constant 128 : i32
    %dma_start3A_14 = tpu.memref_slice %arg7[%dma_start3A_13] : memref<512xi32, #tpu.memory_space<vmem>> -> memref<128xi32, #tpu.memory_space<vmem>>
    %dma_start3A_15 = arith.constant 0 : i32
    %dma_start3A_16 = arith.constant 0 : i32
    %dma_start3A_17 = tpu.memref_slice %arg4[%dma_start3A_15, %dma_start3A_16] : memref<100001x128xf32, #tpu.memory_space<hbm>> -> memref<100001x128xf32, #tpu.memory_space<hbm>>
    tpu.enqueue_indirect_dma source(%dma_start3A_17 : memref<100001x128xf32, #tpu.memory_space<hbm>>) target(%dma_start3A_12 : memref<128x128xf32, #tpu.memory_space<vmem>>) offsets(%dma_start3A_14 : memref<128xi32, #tpu.memory_space<vmem>>) semaphore(%arg11 : memref<!tpu.dma_semaphore, #tpu.memory_space<semaphore_mem>>)
    %dma_wait3A = arith.constant 0 : i32
    %dma_wait3A_18 = arith.constant 0 : i32
    %dma_wait3A_19 = tpu.memref_slice %arg9[%dma_wait3A, %dma_wait3A_18] : memref<256x128xf32, #tpu.memory_space<vmem>> -> memref<128x128xf32, #tpu.memory_space<vmem>>
    %dma_wait3A_20 = arith.constant 0 : i32
    %dma_wait3A_21 = tpu.memref_slice %arg7[%dma_wait3A_20] : memref<512xi32, #tpu.memory_space<vmem>> -> memref<128xi32, #tpu.memory_space<vmem>>
    %dma_wait3A_22 = arith.constant 0 : i32
    %dma_wait3A_23 = arith.constant 0 : i32
    %dma_wait3A_24 = tpu.memref_slice %arg4[%dma_wait3A_22, %dma_wait3A_23] : memref<100001x128xf32, #tpu.memory_space<hbm>> -> memref<100001x128xf32, #tpu.memory_space<hbm>>
    tpu.wait_indirect_dma semaphore(%arg11 : memref<!tpu.dma_semaphore, #tpu.memory_space<semaphore_mem>>) src(%dma_wait3A_24 : memref<100001x128xf32, #tpu.memory_space<hbm>>) dst(%dma_wait3A_19 : memref<128x128xf32, #tpu.memory_space<vmem>>)
    %dma_wait3A_25 = arith.constant 128 : i32
    %dma_wait3A_26 = arith.constant 0 : i32
    %dma_wait3A_27 = tpu.memref_slice %arg9[%dma_wait3A_25, %dma_wait3A_26] : memref<256x128xf32, #tpu.memory_space<vmem>> -> memref<128x128xf32, #tpu.memory_space<vmem>>
    %dma_wait3A_28 = arith.constant 128 : i32
    %dma_wait3A_29 = tpu.memref_slice %arg7[%dma_wait3A_28] : memref<512xi32, #tpu.memory_space<vmem>> -> memref<128xi32, #tpu.memory_space<vmem>>
    %dma_wait3A_30 = arith.constant 0 : i32
    %dma_wait3A_31 = arith.constant 0 : i32
    %dma_wait3A_32 = tpu.memref_slice %arg4[%dma_wait3A_30, %dma_wait3A_31] : memref<100001x128xf32, #tpu.memory_space<hbm>> -> memref<100001x128xf32, #tpu.memory_space<hbm>>
    tpu.wait_indirect_dma semaphore(%arg11 : memref<!tpu.dma_semaphore, #tpu.memory_space<semaphore_mem>>) src(%dma_wait3A_32 : memref<100001x128xf32, #tpu.memory_space<hbm>>) dst(%dma_wait3A_27 : memref<128x128xf32, #tpu.memory_space<vmem>>)
    %add3A_33 = arith.constant 0 : i32
    %add3A_34 = arith.addi %mul3A_2, %add3A_33 : i32
    %dma_start3A_35 = arith.constant 0 : i32
    %dma_start3A_36 = tpu.memref_slice %arg5[%add3A_34, %dma_start3A_35] : memref<16384x128xf32, #tpu.memory_space<hbm>> -> memref<256x128xf32, #tpu.memory_space<hbm>>
    %dma_start3A_37 = arith.constant 0 : i32
    %dma_start3A_38 = tpu.memref_slice %arg5[%add3A_34, %dma_start3A_37] : memref<16384x128xf32, #tpu.memory_space<hbm>> -> memref<256x128xf32, #tpu.memory_space<hbm>>
    tpu.enqueue_dma source(%arg9 : memref<256x128xf32, #tpu.memory_space<vmem>>) target(%dma_start3A_38 : memref<256x128xf32, #tpu.memory_space<hbm>>) target_semaphore(%arg13 : memref<!tpu.dma_semaphore, #tpu.memory_space<semaphore_mem>>)
    %dma_start3A_39 = arith.constant 0 : i32
    %dma_start3A_40 = arith.constant 0 : i32
    %dma_start3A_41 = tpu.memref_slice %arg10[%dma_start3A_39, %dma_start3A_40] : memref<256x128xf32, #tpu.memory_space<vmem>> -> memref<128x128xf32, #tpu.memory_space<vmem>>
    %dma_start3A_42 = arith.constant 256 : i32
    %dma_start3A_43 = tpu.memref_slice %arg7[%dma_start3A_42] : memref<512xi32, #tpu.memory_space<vmem>> -> memref<128xi32, #tpu.memory_space<vmem>>
    %dma_start3A_44 = arith.constant 0 : i32
    %dma_start3A_45 = arith.constant 0 : i32
    %dma_start3A_46 = tpu.memref_slice %arg4[%dma_start3A_44, %dma_start3A_45] : memref<100001x128xf32, #tpu.memory_space<hbm>> -> memref<100001x128xf32, #tpu.memory_space<hbm>>
    tpu.enqueue_indirect_dma source(%dma_start3A_46 : memref<100001x128xf32, #tpu.memory_space<hbm>>) target(%dma_start3A_41 : memref<128x128xf32, #tpu.memory_space<vmem>>) offsets(%dma_start3A_43 : memref<128xi32, #tpu.memory_space<vmem>>) semaphore(%arg12 : memref<!tpu.dma_semaphore, #tpu.memory_space<semaphore_mem>>)
    %dma_start3A_47 = arith.constant 128 : i32
    %dma_start3A_48 = arith.constant 0 : i32
    %dma_start3A_49 = tpu.memref_slice %arg10[%dma_start3A_47, %dma_start3A_48] : memref<256x128xf32, #tpu.memory_space<vmem>> -> memref<128x128xf32, #tpu.memory_space<vmem>>
    %dma_start3A_50 = arith.constant 384 : i32
    %dma_start3A_51 = tpu.memref_slice %arg7[%dma_start3A_50] : memref<512xi32, #tpu.memory_space<vmem>> -> memref<128xi32, #tpu.memory_space<vmem>>
    %dma_start3A_52 = arith.constant 0 : i32
    %dma_start3A_53 = arith.constant 0 : i32
    %dma_start3A_54 = tpu.memref_slice %arg4[%dma_start3A_52, %dma_start3A_53] : memref<100001x128xf32, #tpu.memory_space<hbm>> -> memref<100001x128xf32, #tpu.memory_space<hbm>>
    tpu.enqueue_indirect_dma source(%dma_start3A_54 : memref<100001x128xf32, #tpu.memory_space<hbm>>) target(%dma_start3A_49 : memref<128x128xf32, #tpu.memory_space<vmem>>) offsets(%dma_start3A_51 : memref<128xi32, #tpu.memory_space<vmem>>) semaphore(%arg12 : memref<!tpu.dma_semaphore, #tpu.memory_space<semaphore_mem>>)
    %dma_wait3A_55 = arith.constant 0 : i32
    %dma_wait3A_56 = arith.constant 0 : i32
    %dma_wait3A_57 = tpu.memref_slice %arg10[%dma_wait3A_55, %dma_wait3A_56] : memref<256x128xf32, #tpu.memory_space<vmem>> -> memref<128x128xf32, #tpu.memory_space<vmem>>
    %dma_wait3A_58 = arith.constant 256 : i32
    %dma_wait3A_59 = tpu.memref_slice %arg7[%dma_wait3A_58] : memref<512xi32, #tpu.memory_space<vmem>> -> memref<128xi32, #tpu.memory_space<vmem>>
    %dma_wait3A_60 = arith.constant 0 : i32
    %dma_wait3A_61 = arith.constant 0 : i32
    %dma_wait3A_62 = tpu.memref_slice %arg4[%dma_wait3A_60, %dma_wait3A_61] : memref<100001x128xf32, #tpu.memory_space<hbm>> -> memref<100001x128xf32, #tpu.memory_space<hbm>>
    tpu.wait_indirect_dma semaphore(%arg12 : memref<!tpu.dma_semaphore, #tpu.memory_space<semaphore_mem>>) src(%dma_wait3A_62 : memref<100001x128xf32, #tpu.memory_space<hbm>>) dst(%dma_wait3A_57 : memref<128x128xf32, #tpu.memory_space<vmem>>)
    %dma_wait3A_63 = arith.constant 128 : i32
    %dma_wait3A_64 = arith.constant 0 : i32
    %dma_wait3A_65 = tpu.memref_slice %arg10[%dma_wait3A_63, %dma_wait3A_64] : memref<256x128xf32, #tpu.memory_space<vmem>> -> memref<128x128xf32, #tpu.memory_space<vmem>>
    %dma_wait3A_66 = arith.constant 384 : i32
    %dma_wait3A_67 = tpu.memref_slice %arg7[%dma_wait3A_66] : memref<512xi32, #tpu.memory_space<vmem>> -> memref<128xi32, #tpu.memory_space<vmem>>
    %dma_wait3A_68 = arith.constant 0 : i32
    %dma_wait3A_69 = arith.constant 0 : i32
    %dma_wait3A_70 = tpu.memref_slice %arg4[%dma_wait3A_68, %dma_wait3A_69] : memref<100001x128xf32, #tpu.memory_space<hbm>> -> memref<100001x128xf32, #tpu.memory_space<hbm>>
    tpu.wait_indirect_dma semaphore(%arg12 : memref<!tpu.dma_semaphore, #tpu.memory_space<semaphore_mem>>) src(%dma_wait3A_70 : memref<100001x128xf32, #tpu.memory_space<hbm>>) dst(%dma_wait3A_65 : memref<128x128xf32, #tpu.memory_space<vmem>>)
    %add3A_71 = arith.constant 256 : i32
    %add3A_72 = arith.addi %mul3A_2, %add3A_71 : i32
    %dma_start3A_73 = arith.constant 0 : i32
    %dma_start3A_74 = tpu.memref_slice %arg5[%add3A_72, %dma_start3A_73] : memref<16384x128xf32, #tpu.memory_space<hbm>> -> memref<256x128xf32, #tpu.memory_space<hbm>>
    %dma_start3A_75 = arith.constant 0 : i32
    %dma_start3A_76 = tpu.memref_slice %arg5[%add3A_72, %dma_start3A_75] : memref<16384x128xf32, #tpu.memory_space<hbm>> -> memref<256x128xf32, #tpu.memory_space<hbm>>
    tpu.enqueue_dma source(%arg10 : memref<256x128xf32, #tpu.memory_space<vmem>>) target(%dma_start3A_76 : memref<256x128xf32, #tpu.memory_space<hbm>>) target_semaphore(%arg14 : memref<!tpu.dma_semaphore, #tpu.memory_space<semaphore_mem>>)
    %dma_wait3A_77 = arith.constant 0 : i32
    %dma_wait3A_78 = tpu.memref_slice %arg5[%add3A_34, %dma_wait3A_77] : memref<16384x128xf32, #tpu.memory_space<hbm>> -> memref<256x128xf32, #tpu.memory_space<hbm>>
    %dma_wait3A_79 = arith.constant 0 : i32
    %dma_wait3A_80 = tpu.memref_slice %arg5[%add3A_34, %dma_wait3A_79] : memref<16384x128xf32, #tpu.memory_space<hbm>> -> memref<256x128xf32, #tpu.memory_space<hbm>>
    tpu.wait_dma2 semaphore(%arg13 : memref<!tpu.dma_semaphore, #tpu.memory_space<semaphore_mem>>) src(%arg9 : memref<256x128xf32, #tpu.memory_space<vmem>>) dst(%dma_wait3A_80 : memref<256x128xf32, #tpu.memory_space<hbm>>)
    %dma_start3A_81 = arith.constant 0 : i32
    %dma_start3A_82 = arith.constant 0 : i32
    %dma_start3A_83 = tpu.memref_slice %arg9[%dma_start3A_81, %dma_start3A_82] : memref<256x128xf32, #tpu.memory_space<vmem>> -> memref<128x128xf32, #tpu.memory_space<vmem>>
    %dma_start3A_84 = arith.constant 0 : i32
    %dma_start3A_85 = tpu.memref_slice %arg8[%dma_start3A_84] : memref<512xi32, #tpu.memory_space<vmem>> -> memref<128xi32, #tpu.memory_space<vmem>>
    %dma_start3A_86 = arith.constant 0 : i32
    %dma_start3A_87 = arith.constant 0 : i32
    %dma_start3A_88 = tpu.memref_slice %arg4[%dma_start3A_86, %dma_start3A_87] : memref<100001x128xf32, #tpu.memory_space<hbm>> -> memref<100001x128xf32, #tpu.memory_space<hbm>>
    tpu.enqueue_indirect_dma source(%dma_start3A_88 : memref<100001x128xf32, #tpu.memory_space<hbm>>) target(%dma_start3A_83 : memref<128x128xf32, #tpu.memory_space<vmem>>) offsets(%dma_start3A_85 : memref<128xi32, #tpu.memory_space<vmem>>) semaphore(%arg11 : memref<!tpu.dma_semaphore, #tpu.memory_space<semaphore_mem>>)
    %dma_start3A_89 = arith.constant 128 : i32
    %dma_start3A_90 = arith.constant 0 : i32
    %dma_start3A_91 = tpu.memref_slice %arg9[%dma_start3A_89, %dma_start3A_90] : memref<256x128xf32, #tpu.memory_space<vmem>> -> memref<128x128xf32, #tpu.memory_space<vmem>>
    %dma_start3A_92 = arith.constant 128 : i32
    %dma_start3A_93 = tpu.memref_slice %arg8[%dma_start3A_92] : memref<512xi32, #tpu.memory_space<vmem>> -> memref<128xi32, #tpu.memory_space<vmem>>
    %dma_start3A_94 = arith.constant 0 : i32
    %dma_start3A_95 = arith.constant 0 : i32
    %dma_start3A_96 = tpu.memref_slice %arg4[%dma_start3A_94, %dma_start3A_95] : memref<100001x128xf32, #tpu.memory_space<hbm>> -> memref<100001x128xf32, #tpu.memory_space<hbm>>
    tpu.enqueue_indirect_dma source(%dma_start3A_96 : memref<100001x128xf32, #tpu.memory_space<hbm>>) target(%dma_start3A_91 : memref<128x128xf32, #tpu.memory_space<vmem>>) offsets(%dma_start3A_93 : memref<128xi32, #tpu.memory_space<vmem>>) semaphore(%arg11 : memref<!tpu.dma_semaphore, #tpu.memory_space<semaphore_mem>>)
    %dma_wait3A_97 = arith.constant 0 : i32
    %dma_wait3A_98 = arith.constant 0 : i32
    %dma_wait3A_99 = tpu.memref_slice %arg9[%dma_wait3A_97, %dma_wait3A_98] : memref<256x128xf32, #tpu.memory_space<vmem>> -> memref<128x128xf32, #tpu.memory_space<vmem>>
    %dma_wait3A_100 = arith.constant 0 : i32
    %dma_wait3A_101 = tpu.memref_slice %arg8[%dma_wait3A_100] : memref<512xi32, #tpu.memory_space<vmem>> -> memref<128xi32, #tpu.memory_space<vmem>>
    %dma_wait3A_102 = arith.constant 0 : i32
    %dma_wait3A_103 = arith.constant 0 : i32
    %dma_wait3A_104 = tpu.memref_slice %arg4[%dma_wait3A_102, %dma_wait3A_103] : memref<100001x128xf32, #tpu.memory_space<hbm>> -> memref<100001x128xf32, #tpu.memory_space<hbm>>
    tpu.wait_indirect_dma semaphore(%arg11 : memref<!tpu.dma_semaphore, #tpu.memory_space<semaphore_mem>>) src(%dma_wait3A_104 : memref<100001x128xf32, #tpu.memory_space<hbm>>) dst(%dma_wait3A_99 : memref<128x128xf32, #tpu.memory_space<vmem>>)
    %dma_wait3A_105 = arith.constant 128 : i32
    %dma_wait3A_106 = arith.constant 0 : i32
    %dma_wait3A_107 = tpu.memref_slice %arg9[%dma_wait3A_105, %dma_wait3A_106] : memref<256x128xf32, #tpu.memory_space<vmem>> -> memref<128x128xf32, #tpu.memory_space<vmem>>
    %dma_wait3A_108 = arith.constant 128 : i32
    %dma_wait3A_109 = tpu.memref_slice %arg8[%dma_wait3A_108] : memref<512xi32, #tpu.memory_space<vmem>> -> memref<128xi32, #tpu.memory_space<vmem>>
    %dma_wait3A_110 = arith.constant 0 : i32
    %dma_wait3A_111 = arith.constant 0 : i32
    %dma_wait3A_112 = tpu.memref_slice %arg4[%dma_wait3A_110, %dma_wait3A_111] : memref<100001x128xf32, #tpu.memory_space<hbm>> -> memref<100001x128xf32, #tpu.memory_space<hbm>>
    tpu.wait_indirect_dma semaphore(%arg11 : memref<!tpu.dma_semaphore, #tpu.memory_space<semaphore_mem>>) src(%dma_wait3A_112 : memref<100001x128xf32, #tpu.memory_space<hbm>>) dst(%dma_wait3A_107 : memref<128x128xf32, #tpu.memory_space<vmem>>)
    %add3A_113 = arith.constant 0 : i32
    %add3A_114 = arith.addi %mul3A_2, %add3A_113 : i32
    %dma_start3A_115 = arith.constant 0 : i32
    %dma_start3A_116 = tpu.memref_slice %arg6[%add3A_114, %dma_start3A_115] : memref<16384x128xf32, #tpu.memory_space<hbm>> -> memref<256x128xf32, #tpu.memory_space<hbm>>
    %dma_start3A_117 = arith.constant 0 : i32
    %dma_start3A_118 = tpu.memref_slice %arg6[%add3A_114, %dma_start3A_117] : memref<16384x128xf32, #tpu.memory_space<hbm>> -> memref<256x128xf32, #tpu.memory_space<hbm>>
    tpu.enqueue_dma source(%arg9 : memref<256x128xf32, #tpu.memory_space<vmem>>) target(%dma_start3A_118 : memref<256x128xf32, #tpu.memory_space<hbm>>) target_semaphore(%arg13 : memref<!tpu.dma_semaphore, #tpu.memory_space<semaphore_mem>>)
    %dma_wait3A_119 = arith.constant 0 : i32
    %dma_wait3A_120 = tpu.memref_slice %arg5[%add3A_72, %dma_wait3A_119] : memref<16384x128xf32, #tpu.memory_space<hbm>> -> memref<256x128xf32, #tpu.memory_space<hbm>>
    %dma_wait3A_121 = arith.constant 0 : i32
    %dma_wait3A_122 = tpu.memref_slice %arg5[%add3A_72, %dma_wait3A_121] : memref<16384x128xf32, #tpu.memory_space<hbm>> -> memref<256x128xf32, #tpu.memory_space<hbm>>
    tpu.wait_dma2 semaphore(%arg14 : memref<!tpu.dma_semaphore, #tpu.memory_space<semaphore_mem>>) src(%arg10 : memref<256x128xf32, #tpu.memory_space<vmem>>) dst(%dma_wait3A_122 : memref<256x128xf32, #tpu.memory_space<hbm>>)
    %dma_start3A_123 = arith.constant 0 : i32
    %dma_start3A_124 = arith.constant 0 : i32
    %dma_start3A_125 = tpu.memref_slice %arg10[%dma_start3A_123, %dma_start3A_124] : memref<256x128xf32, #tpu.memory_space<vmem>> -> memref<128x128xf32, #tpu.memory_space<vmem>>
    %dma_start3A_126 = arith.constant 256 : i32
    %dma_start3A_127 = tpu.memref_slice %arg8[%dma_start3A_126] : memref<512xi32, #tpu.memory_space<vmem>> -> memref<128xi32, #tpu.memory_space<vmem>>
    %dma_start3A_128 = arith.constant 0 : i32
    %dma_start3A_129 = arith.constant 0 : i32
    %dma_start3A_130 = tpu.memref_slice %arg4[%dma_start3A_128, %dma_start3A_129] : memref<100001x128xf32, #tpu.memory_space<hbm>> -> memref<100001x128xf32, #tpu.memory_space<hbm>>
    tpu.enqueue_indirect_dma source(%dma_start3A_130 : memref<100001x128xf32, #tpu.memory_space<hbm>>) target(%dma_start3A_125 : memref<128x128xf32, #tpu.memory_space<vmem>>) offsets(%dma_start3A_127 : memref<128xi32, #tpu.memory_space<vmem>>) semaphore(%arg12 : memref<!tpu.dma_semaphore, #tpu.memory_space<semaphore_mem>>)
    %dma_start3A_131 = arith.constant 128 : i32
    %dma_start3A_132 = arith.constant 0 : i32
    %dma_start3A_133 = tpu.memref_slice %arg10[%dma_start3A_131, %dma_start3A_132] : memref<256x128xf32, #tpu.memory_space<vmem>> -> memref<128x128xf32, #tpu.memory_space<vmem>>
    %dma_start3A_134 = arith.constant 384 : i32
    %dma_start3A_135 = tpu.memref_slice %arg8[%dma_start3A_134] : memref<512xi32, #tpu.memory_space<vmem>> -> memref<128xi32, #tpu.memory_space<vmem>>
    %dma_start3A_136 = arith.constant 0 : i32
    %dma_start3A_137 = arith.constant 0 : i32
    %dma_start3A_138 = tpu.memref_slice %arg4[%dma_start3A_136, %dma_start3A_137] : memref<100001x128xf32, #tpu.memory_space<hbm>> -> memref<100001x128xf32, #tpu.memory_space<hbm>>
    tpu.enqueue_indirect_dma source(%dma_start3A_138 : memref<100001x128xf32, #tpu.memory_space<hbm>>) target(%dma_start3A_133 : memref<128x128xf32, #tpu.memory_space<vmem>>) offsets(%dma_start3A_135 : memref<128xi32, #tpu.memory_space<vmem>>) semaphore(%arg12 : memref<!tpu.dma_semaphore, #tpu.memory_space<semaphore_mem>>)
    %dma_wait3A_139 = arith.constant 0 : i32
    %dma_wait3A_140 = arith.constant 0 : i32
    %dma_wait3A_141 = tpu.memref_slice %arg10[%dma_wait3A_139, %dma_wait3A_140] : memref<256x128xf32, #tpu.memory_space<vmem>> -> memref<128x128xf32, #tpu.memory_space<vmem>>
    %dma_wait3A_142 = arith.constant 256 : i32
    %dma_wait3A_143 = tpu.memref_slice %arg8[%dma_wait3A_142] : memref<512xi32, #tpu.memory_space<vmem>> -> memref<128xi32, #tpu.memory_space<vmem>>
    %dma_wait3A_144 = arith.constant 0 : i32
    %dma_wait3A_145 = arith.constant 0 : i32
    %dma_wait3A_146 = tpu.memref_slice %arg4[%dma_wait3A_144, %dma_wait3A_145] : memref<100001x128xf32, #tpu.memory_space<hbm>> -> memref<100001x128xf32, #tpu.memory_space<hbm>>
    tpu.wait_indirect_dma semaphore(%arg12 : memref<!tpu.dma_semaphore, #tpu.memory_space<semaphore_mem>>) src(%dma_wait3A_146 : memref<100001x128xf32, #tpu.memory_space<hbm>>) dst(%dma_wait3A_141 : memref<128x128xf32, #tpu.memory_space<vmem>>)
    %dma_wait3A_147 = arith.constant 128 : i32
    %dma_wait3A_148 = arith.constant 0 : i32
    %dma_wait3A_149 = tpu.memref_slice %arg10[%dma_wait3A_147, %dma_wait3A_148] : memref<256x128xf32, #tpu.memory_space<vmem>> -> memref<128x128xf32, #tpu.memory_space<vmem>>
    %dma_wait3A_150 = arith.constant 384 : i32
    %dma_wait3A_151 = tpu.memref_slice %arg8[%dma_wait3A_150] : memref<512xi32, #tpu.memory_space<vmem>> -> memref<128xi32, #tpu.memory_space<vmem>>
    %dma_wait3A_152 = arith.constant 0 : i32
    %dma_wait3A_153 = arith.constant 0 : i32
    %dma_wait3A_154 = tpu.memref_slice %arg4[%dma_wait3A_152, %dma_wait3A_153] : memref<100001x128xf32, #tpu.memory_space<hbm>> -> memref<100001x128xf32, #tpu.memory_space<hbm>>
    tpu.wait_indirect_dma semaphore(%arg12 : memref<!tpu.dma_semaphore, #tpu.memory_space<semaphore_mem>>) src(%dma_wait3A_154 : memref<100001x128xf32, #tpu.memory_space<hbm>>) dst(%dma_wait3A_149 : memref<128x128xf32, #tpu.memory_space<vmem>>)
    %add3A_155 = arith.constant 256 : i32
    %add3A_156 = arith.addi %mul3A_2, %add3A_155 : i32
    %dma_start3A_157 = arith.constant 0 : i32
    %dma_start3A_158 = tpu.memref_slice %arg6[%add3A_156, %dma_start3A_157] : memref<16384x128xf32, #tpu.memory_space<hbm>> -> memref<256x128xf32, #tpu.memory_space<hbm>>
    %dma_start3A_159 = arith.constant 0 : i32
    %dma_start3A_160 = tpu.memref_slice %arg6[%add3A_156, %dma_start3A_159] : memref<16384x128xf32, #tpu.memory_space<hbm>> -> memref<256x128xf32, #tpu.memory_space<hbm>>
    tpu.enqueue_dma source(%arg10 : memref<256x128xf32, #tpu.memory_space<vmem>>) target(%dma_start3A_160 : memref<256x128xf32, #tpu.memory_space<hbm>>) target_semaphore(%arg14 : memref<!tpu.dma_semaphore, #tpu.memory_space<semaphore_mem>>)
    %dma_wait3A_161 = arith.constant 0 : i32
    %dma_wait3A_162 = tpu.memref_slice %arg6[%add3A_114, %dma_wait3A_161] : memref<16384x128xf32, #tpu.memory_space<hbm>> -> memref<256x128xf32, #tpu.memory_space<hbm>>
    %dma_wait3A_163 = arith.constant 0 : i32
    %dma_wait3A_164 = tpu.memref_slice %arg6[%add3A_114, %dma_wait3A_163] : memref<16384x128xf32, #tpu.memory_space<hbm>> -> memref<256x128xf32, #tpu.memory_space<hbm>>
    tpu.wait_dma2 semaphore(%arg13 : memref<!tpu.dma_semaphore, #tpu.memory_space<semaphore_mem>>) src(%arg9 : memref<256x128xf32, #tpu.memory_space<vmem>>) dst(%dma_wait3A_164 : memref<256x128xf32, #tpu.memory_space<hbm>>)
    %dma_wait3A_165 = arith.constant 0 : i32
    %dma_wait3A_166 = tpu.memref_slice %arg6[%add3A_156, %dma_wait3A_165] : memref<16384x128xf32, #tpu.memory_space<hbm>> -> memref<256x128xf32, #tpu.memory_space<hbm>>
    %dma_wait3A_167 = arith.constant 0 : i32
    %dma_wait3A_168 = tpu.memref_slice %arg6[%add3A_156, %dma_wait3A_167] : memref<16384x128xf32, #tpu.memory_space<hbm>> -> memref<256x128xf32, #tpu.memory_space<hbm>>
    tpu.wait_dma2 semaphore(%arg14 : memref<!tpu.dma_semaphore, #tpu.memory_space<semaphore_mem>>) src(%arg10 : memref<256x128xf32, #tpu.memory_space<vmem>>) dst(%dma_wait3A_168 : memref<256x128xf32, #tpu.memory_space<hbm>>)
    return
  }
}

#map = affine_map<(d0, d1) -> (0)>
#map1 = affine_map<(d0, d1) -> (0, 0)>
module attributes {stable_mosaic.version = 14 : i64} {
  func.func @gather_kernel(%arg0: i32, %arg1: i32, %arg2: memref<16384xi32, #tpu.memory_space<hbm>>, %arg3: memref<16384xi32, #tpu.memory_space<hbm>>, %arg4: memref<1001x128xf32, #tpu.memory_space<hbm>>, %arg5: memref<16384x128xf32, #tpu.memory_space<hbm>>, %arg6: memref<16384x128xf32, #tpu.memory_space<hbm>>, %arg7: memref<512xi32, #tpu.memory_space<vmem>>, %arg8: memref<512xi32, #tpu.memory_space<vmem>>, %arg9: memref<256x128xf32, #tpu.memory_space<vmem>>, %arg10: memref<256x128xf32, #tpu.memory_space<vmem>>, %arg11: memref<!tpu.dma_semaphore, #tpu.memory_space<semaphore_mem>>, %arg12: memref<!tpu.dma_semaphore, #tpu.memory_space<semaphore_mem>>, %arg13: memref<!tpu.dma_semaphore, #tpu.memory_space<semaphore_mem>>, %arg14: memref<!tpu.dma_semaphore, #tpu.memory_space<semaphore_mem>>) attributes {dimension_semantics = [#tpu.dimension_semantics<core_parallel>, #tpu.dimension_semantics<subcore_parallel>], iteration_bounds = array<i64: 2, 16>, scalar_prefetch = 0 : i64, scratch_operands = 8 : i64, tpu.core_type = #tpu.core_type<sc_vector_subcore>, window_params = [{transform_indices = #map}, {transform_indices = #map}, {transform_indices = #map1}, {transform_indices = #map1}, {transform_indices = #map1}]} {
    %mul3A = arith.constant 2 : i32
    %mul3A_0 = arith.muli %arg1, %mul3A : i32
    %add3A = arith.addi %mul3A_0, %arg0 : i32
    %mul3A_1 = arith.constant 512 : i32
    %mul3A_2 = arith.muli %add3A, %mul3A_1 : i32
    "tpu.region"() ({
      %run_scoped3A = tpu.sem_alloc : memref<!tpu.dma_semaphore, #tpu.memory_space<semaphore_mem>>
      %dma_start3A_169 = tpu.memref_slice %arg2[%mul3A_2] : memref<16384xi32, #tpu.memory_space<hbm>> -> memref<512xi32, #tpu.memory_space<hbm>>
      %dma_start3A_170 = tpu.memref_slice %arg2[%mul3A_2] : memref<16384xi32, #tpu.memory_space<hbm>> -> memref<512xi32, #tpu.memory_space<hbm>>
      tpu.enqueue_dma source(%dma_start3A_170 : memref<512xi32, #tpu.memory_space<hbm>>) target(%arg7 : memref<512xi32, #tpu.memory_space<vmem>>) target_semaphore(%run_scoped3A : memref<!tpu.dma_semaphore, #tpu.memory_space<semaphore_mem>>)
      %dma_wait3A_171 = tpu.memref_slice %arg2[%mul3A_2] : memref<16384xi32, #tpu.memory_space<hbm>> -> memref<512xi32, #tpu.memory_space<hbm>>
      %dma_wait3A_172 = tpu.memref_slice %arg2[%mul3A_2] : memref<16384xi32, #tpu.memory_space<hbm>> -> memref<512xi32, #tpu.memory_space<hbm>>
      tpu.wait_dma2 semaphore(%run_scoped3A : memref<!tpu.dma_semaphore, #tpu.memory_space<semaphore_mem>>) src(%dma_wait3A_172 : memref<512xi32, #tpu.memory_space<hbm>>) dst(%arg7 : memref<512xi32, #tpu.memory_space<vmem>>)
      tpu.yield
    }) : () -> ()
    "tpu.region"() ({
      %run_scoped3A = tpu.sem_alloc : memref<!tpu.dma_semaphore, #tpu.memory_space<semaphore_mem>>
      %dma_start3A_169 = tpu.memref_slice %arg3[%mul3A_2] : memref<16384xi32, #tpu.memory_space<hbm>> -> memref<512xi32, #tpu.memory_space<hbm>>
      %dma_start3A_170 = tpu.memref_slice %arg3[%mul3A_2] : memref<16384xi32, #tpu.memory_space<hbm>> -> memref<512xi32, #tpu.memory_space<hbm>>
      tpu.enqueue_dma source(%dma_start3A_170 : memref<512xi32, #tpu.memory_space<hbm>>) target(%arg8 : memref<512xi32, #tpu.memory_space<vmem>>) target_semaphore(%run_scoped3A : memref<!tpu.dma_semaphore, #tpu.memory_space<semaphore_mem>>)
      %dma_wait3A_171 = tpu.memref_slice %arg3[%mul3A_2] : memref<16384xi32, #tpu.memory_space<hbm>> -> memref<512xi32, #tpu.memory_space<hbm>>
      %dma_wait3A_172 = tpu.memref_slice %arg3[%mul3A_2] : memref<16384xi32, #tpu.memory_space<hbm>> -> memref<512xi32, #tpu.memory_space<hbm>>
      tpu.wait_dma2 semaphore(%run_scoped3A : memref<!tpu.dma_semaphore, #tpu.memory_space<semaphore_mem>>) src(%dma_wait3A_172 : memref<512xi32, #tpu.memory_space<hbm>>) dst(%arg8 : memref<512xi32, #tpu.memory_space<vmem>>)
      tpu.yield
    }) : () -> ()
    %dma_start3A = arith.constant 0 : i32
    %dma_start3A_3 = arith.constant 0 : i32
    %dma_start3A_4 = tpu.memref_slice %arg9[%dma_start3A, %dma_start3A_3] : memref<256x128xf32, #tpu.memory_space<vmem>> -> memref<128x128xf32, #tpu.memory_space<vmem>>
    %dma_start3A_5 = arith.constant 0 : i32
    %dma_start3A_6 = tpu.memref_slice %arg7[%dma_start3A_5] : memref<512xi32, #tpu.memory_space<vmem>> -> memref<128xi32, #tpu.memory_space<vmem>>
    %dma_start3A_7 = arith.constant 0 : i32
    %dma_start3A_8 = arith.constant 0 : i32
    %dma_start3A_9 = tpu.memref_slice %arg4[%dma_start3A_7, %dma_start3A_8] : memref<1001x128xf32, #tpu.memory_space<hbm>> -> memref<1001x128xf32, #tpu.memory_space<hbm>>
    tpu.enqueue_indirect_dma source(%dma_start3A_9 : memref<1001x128xf32, #tpu.memory_space<hbm>>) target(%dma_start3A_4 : memref<128x128xf32, #tpu.memory_space<vmem>>) offsets(%dma_start3A_6 : memref<128xi32, #tpu.memory_space<vmem>>) semaphore(%arg11 : memref<!tpu.dma_semaphore, #tpu.memory_space<semaphore_mem>>)
    %dma_start3A_10 = arith.constant 128 : i32
    %dma_start3A_11 = arith.constant 0 : i32
    %dma_start3A_12 = tpu.memref_slice %arg9[%dma_start3A_10, %dma_start3A_11] : memref<256x128xf32, #tpu.memory_space<vmem>> -> memref<128x128xf32, #tpu.memory_space<vmem>>
    %dma_start3A_13 = arith.constant 128 : i32
    %dma_start3A_14 = tpu.memref_slice %arg7[%dma_start3A_13] : memref<512xi32, #tpu.memory_space<vmem>> -> memref<128xi32, #tpu.memory_space<vmem>>
    %dma_start3A_15 = arith.constant 0 : i32
    %dma_start3A_16 = arith.constant 0 : i32
    %dma_start3A_17 = tpu.memref_slice %arg4[%dma_start3A_15, %dma_start3A_16] : memref<1001x128xf32, #tpu.memory_space<hbm>> -> memref<1001x128xf32, #tpu.memory_space<hbm>>
    tpu.enqueue_indirect_dma source(%dma_start3A_17 : memref<1001x128xf32, #tpu.memory_space<hbm>>) target(%dma_start3A_12 : memref<128x128xf32, #tpu.memory_space<vmem>>) offsets(%dma_start3A_14 : memref<128xi32, #tpu.memory_space<vmem>>) semaphore(%arg11 : memref<!tpu.dma_semaphore, #tpu.memory_space<semaphore_mem>>)
    %dma_wait3A = arith.constant 0 : i32
    %dma_wait3A_18 = arith.constant 0 : i32
    %dma_wait3A_19 = tpu.memref_slice %arg9[%dma_wait3A, %dma_wait3A_18] : memref<256x128xf32, #tpu.memory_space<vmem>> -> memref<128x128xf32, #tpu.memory_space<vmem>>
    %dma_wait3A_20 = arith.constant 0 : i32
    %dma_wait3A_21 = tpu.memref_slice %arg7[%dma_wait3A_20] : memref<512xi32, #tpu.memory_space<vmem>> -> memref<128xi32, #tpu.memory_space<vmem>>
    %dma_wait3A_22 = arith.constant 0 : i32
    %dma_wait3A_23 = arith.constant 0 : i32
    %dma_wait3A_24 = tpu.memref_slice %arg4[%dma_wait3A_22, %dma_wait3A_23] : memref<1001x128xf32, #tpu.memory_space<hbm>> -> memref<1001x128xf32, #tpu.memory_space<hbm>>
    tpu.wait_indirect_dma semaphore(%arg11 : memref<!tpu.dma_semaphore, #tpu.memory_space<semaphore_mem>>) src(%dma_wait3A_24 : memref<1001x128xf32, #tpu.memory_space<hbm>>) dst(%dma_wait3A_19 : memref<128x128xf32, #tpu.memory_space<vmem>>)
    %dma_wait3A_25 = arith.constant 128 : i32
    %dma_wait3A_26 = arith.constant 0 : i32
    %dma_wait3A_27 = tpu.memref_slice %arg9[%dma_wait3A_25, %dma_wait3A_26] : memref<256x128xf32, #tpu.memory_space<vmem>> -> memref<128x128xf32, #tpu.memory_space<vmem>>
    %dma_wait3A_28 = arith.constant 128 : i32
    %dma_wait3A_29 = tpu.memref_slice %arg7[%dma_wait3A_28] : memref<512xi32, #tpu.memory_space<vmem>> -> memref<128xi32, #tpu.memory_space<vmem>>
    %dma_wait3A_30 = arith.constant 0 : i32
    %dma_wait3A_31 = arith.constant 0 : i32
    %dma_wait3A_32 = tpu.memref_slice %arg4[%dma_wait3A_30, %dma_wait3A_31] : memref<1001x128xf32, #tpu.memory_space<hbm>> -> memref<1001x128xf32, #tpu.memory_space<hbm>>
    tpu.wait_indirect_dma semaphore(%arg11 : memref<!tpu.dma_semaphore, #tpu.memory_space<semaphore_mem>>) src(%dma_wait3A_32 : memref<1001x128xf32, #tpu.memory_space<hbm>>) dst(%dma_wait3A_27 : memref<128x128xf32, #tpu.memory_space<vmem>>)
    %add3A_33 = arith.constant 0 : i32
    %add3A_34 = arith.addi %mul3A_2, %add3A_33 : i32
    %dma_start3A_35 = arith.constant 0 : i32
    %dma_start3A_36 = tpu.memref_slice %arg5[%add3A_34, %dma_start3A_35] : memref<16384x128xf32, #tpu.memory_space<hbm>> -> memref<256x128xf32, #tpu.memory_space<hbm>>
    %dma_start3A_37 = arith.constant 0 : i32
    %dma_start3A_38 = tpu.memref_slice %arg5[%add3A_34, %dma_start3A_37] : memref<16384x128xf32, #tpu.memory_space<hbm>> -> memref<256x128xf32, #tpu.memory_space<hbm>>
    tpu.enqueue_dma source(%arg9 : memref<256x128xf32, #tpu.memory_space<vmem>>) target(%dma_start3A_38 : memref<256x128xf32, #tpu.memory_space<hbm>>) target_semaphore(%arg13 : memref<!tpu.dma_semaphore, #tpu.memory_space<semaphore_mem>>)
    %dma_start3A_39 = arith.constant 0 : i32
    %dma_start3A_40 = arith.constant 0 : i32
    %dma_start3A_41 = tpu.memref_slice %arg10[%dma_start3A_39, %dma_start3A_40] : memref<256x128xf32, #tpu.memory_space<vmem>> -> memref<128x128xf32, #tpu.memory_space<vmem>>
    %dma_start3A_42 = arith.constant 256 : i32
    %dma_start3A_43 = tpu.memref_slice %arg7[%dma_start3A_42] : memref<512xi32, #tpu.memory_space<vmem>> -> memref<128xi32, #tpu.memory_space<vmem>>
    %dma_start3A_44 = arith.constant 0 : i32
    %dma_start3A_45 = arith.constant 0 : i32
    %dma_start3A_46 = tpu.memref_slice %arg4[%dma_start3A_44, %dma_start3A_45] : memref<1001x128xf32, #tpu.memory_space<hbm>> -> memref<1001x128xf32, #tpu.memory_space<hbm>>
    tpu.enqueue_indirect_dma source(%dma_start3A_46 : memref<1001x128xf32, #tpu.memory_space<hbm>>) target(%dma_start3A_41 : memref<128x128xf32, #tpu.memory_space<vmem>>) offsets(%dma_start3A_43 : memref<128xi32, #tpu.memory_space<vmem>>) semaphore(%arg12 : memref<!tpu.dma_semaphore, #tpu.memory_space<semaphore_mem>>)
    %dma_start3A_47 = arith.constant 128 : i32
    %dma_start3A_48 = arith.constant 0 : i32
    %dma_start3A_49 = tpu.memref_slice %arg10[%dma_start3A_47, %dma_start3A_48] : memref<256x128xf32, #tpu.memory_space<vmem>> -> memref<128x128xf32, #tpu.memory_space<vmem>>
    %dma_start3A_50 = arith.constant 384 : i32
    %dma_start3A_51 = tpu.memref_slice %arg7[%dma_start3A_50] : memref<512xi32, #tpu.memory_space<vmem>> -> memref<128xi32, #tpu.memory_space<vmem>>
    %dma_start3A_52 = arith.constant 0 : i32
    %dma_start3A_53 = arith.constant 0 : i32
    %dma_start3A_54 = tpu.memref_slice %arg4[%dma_start3A_52, %dma_start3A_53] : memref<1001x128xf32, #tpu.memory_space<hbm>> -> memref<1001x128xf32, #tpu.memory_space<hbm>>
    tpu.enqueue_indirect_dma source(%dma_start3A_54 : memref<1001x128xf32, #tpu.memory_space<hbm>>) target(%dma_start3A_49 : memref<128x128xf32, #tpu.memory_space<vmem>>) offsets(%dma_start3A_51 : memref<128xi32, #tpu.memory_space<vmem>>) semaphore(%arg12 : memref<!tpu.dma_semaphore, #tpu.memory_space<semaphore_mem>>)
    %dma_wait3A_55 = arith.constant 0 : i32
    %dma_wait3A_56 = arith.constant 0 : i32
    %dma_wait3A_57 = tpu.memref_slice %arg10[%dma_wait3A_55, %dma_wait3A_56] : memref<256x128xf32, #tpu.memory_space<vmem>> -> memref<128x128xf32, #tpu.memory_space<vmem>>
    %dma_wait3A_58 = arith.constant 256 : i32
    %dma_wait3A_59 = tpu.memref_slice %arg7[%dma_wait3A_58] : memref<512xi32, #tpu.memory_space<vmem>> -> memref<128xi32, #tpu.memory_space<vmem>>
    %dma_wait3A_60 = arith.constant 0 : i32
    %dma_wait3A_61 = arith.constant 0 : i32
    %dma_wait3A_62 = tpu.memref_slice %arg4[%dma_wait3A_60, %dma_wait3A_61] : memref<1001x128xf32, #tpu.memory_space<hbm>> -> memref<1001x128xf32, #tpu.memory_space<hbm>>
    tpu.wait_indirect_dma semaphore(%arg12 : memref<!tpu.dma_semaphore, #tpu.memory_space<semaphore_mem>>) src(%dma_wait3A_62 : memref<1001x128xf32, #tpu.memory_space<hbm>>) dst(%dma_wait3A_57 : memref<128x128xf32, #tpu.memory_space<vmem>>)
    %dma_wait3A_63 = arith.constant 128 : i32
    %dma_wait3A_64 = arith.constant 0 : i32
    %dma_wait3A_65 = tpu.memref_slice %arg10[%dma_wait3A_63, %dma_wait3A_64] : memref<256x128xf32, #tpu.memory_space<vmem>> -> memref<128x128xf32, #tpu.memory_space<vmem>>
    %dma_wait3A_66 = arith.constant 384 : i32
    %dma_wait3A_67 = tpu.memref_slice %arg7[%dma_wait3A_66] : memref<512xi32, #tpu.memory_space<vmem>> -> memref<128xi32, #tpu.memory_space<vmem>>
    %dma_wait3A_68 = arith.constant 0 : i32
    %dma_wait3A_69 = arith.constant 0 : i32
    %dma_wait3A_70 = tpu.memref_slice %arg4[%dma_wait3A_68, %dma_wait3A_69] : memref<1001x128xf32, #tpu.memory_space<hbm>> -> memref<1001x128xf32, #tpu.memory_space<hbm>>
    tpu.wait_indirect_dma semaphore(%arg12 : memref<!tpu.dma_semaphore, #tpu.memory_space<semaphore_mem>>) src(%dma_wait3A_70 : memref<1001x128xf32, #tpu.memory_space<hbm>>) dst(%dma_wait3A_65 : memref<128x128xf32, #tpu.memory_space<vmem>>)
    %add3A_71 = arith.constant 256 : i32
    %add3A_72 = arith.addi %mul3A_2, %add3A_71 : i32
    %dma_start3A_73 = arith.constant 0 : i32
    %dma_start3A_74 = tpu.memref_slice %arg5[%add3A_72, %dma_start3A_73] : memref<16384x128xf32, #tpu.memory_space<hbm>> -> memref<256x128xf32, #tpu.memory_space<hbm>>
    %dma_start3A_75 = arith.constant 0 : i32
    %dma_start3A_76 = tpu.memref_slice %arg5[%add3A_72, %dma_start3A_75] : memref<16384x128xf32, #tpu.memory_space<hbm>> -> memref<256x128xf32, #tpu.memory_space<hbm>>
    tpu.enqueue_dma source(%arg10 : memref<256x128xf32, #tpu.memory_space<vmem>>) target(%dma_start3A_76 : memref<256x128xf32, #tpu.memory_space<hbm>>) target_semaphore(%arg14 : memref<!tpu.dma_semaphore, #tpu.memory_space<semaphore_mem>>)
    %dma_wait3A_77 = arith.constant 0 : i32
    %dma_wait3A_78 = tpu.memref_slice %arg5[%add3A_34, %dma_wait3A_77] : memref<16384x128xf32, #tpu.memory_space<hbm>> -> memref<256x128xf32, #tpu.memory_space<hbm>>
    %dma_wait3A_79 = arith.constant 0 : i32
    %dma_wait3A_80 = tpu.memref_slice %arg5[%add3A_34, %dma_wait3A_79] : memref<16384x128xf32, #tpu.memory_space<hbm>> -> memref<256x128xf32, #tpu.memory_space<hbm>>
    tpu.wait_dma2 semaphore(%arg13 : memref<!tpu.dma_semaphore, #tpu.memory_space<semaphore_mem>>) src(%arg9 : memref<256x128xf32, #tpu.memory_space<vmem>>) dst(%dma_wait3A_80 : memref<256x128xf32, #tpu.memory_space<hbm>>)
    %dma_start3A_81 = arith.constant 0 : i32
    %dma_start3A_82 = arith.constant 0 : i32
    %dma_start3A_83 = tpu.memref_slice %arg9[%dma_start3A_81, %dma_start3A_82] : memref<256x128xf32, #tpu.memory_space<vmem>> -> memref<128x128xf32, #tpu.memory_space<vmem>>
    %dma_start3A_84 = arith.constant 0 : i32
    %dma_start3A_85 = tpu.memref_slice %arg8[%dma_start3A_84] : memref<512xi32, #tpu.memory_space<vmem>> -> memref<128xi32, #tpu.memory_space<vmem>>
    %dma_start3A_86 = arith.constant 0 : i32
    %dma_start3A_87 = arith.constant 0 : i32
    %dma_start3A_88 = tpu.memref_slice %arg4[%dma_start3A_86, %dma_start3A_87] : memref<1001x128xf32, #tpu.memory_space<hbm>> -> memref<1001x128xf32, #tpu.memory_space<hbm>>
    tpu.enqueue_indirect_dma source(%dma_start3A_88 : memref<1001x128xf32, #tpu.memory_space<hbm>>) target(%dma_start3A_83 : memref<128x128xf32, #tpu.memory_space<vmem>>) offsets(%dma_start3A_85 : memref<128xi32, #tpu.memory_space<vmem>>) semaphore(%arg11 : memref<!tpu.dma_semaphore, #tpu.memory_space<semaphore_mem>>)
    %dma_start3A_89 = arith.constant 128 : i32
    %dma_start3A_90 = arith.constant 0 : i32
    %dma_start3A_91 = tpu.memref_slice %arg9[%dma_start3A_89, %dma_start3A_90] : memref<256x128xf32, #tpu.memory_space<vmem>> -> memref<128x128xf32, #tpu.memory_space<vmem>>
    %dma_start3A_92 = arith.constant 128 : i32
    %dma_start3A_93 = tpu.memref_slice %arg8[%dma_start3A_92] : memref<512xi32, #tpu.memory_space<vmem>> -> memref<128xi32, #tpu.memory_space<vmem>>
    %dma_start3A_94 = arith.constant 0 : i32
    %dma_start3A_95 = arith.constant 0 : i32
    %dma_start3A_96 = tpu.memref_slice %arg4[%dma_start3A_94, %dma_start3A_95] : memref<1001x128xf32, #tpu.memory_space<hbm>> -> memref<1001x128xf32, #tpu.memory_space<hbm>>
    tpu.enqueue_indirect_dma source(%dma_start3A_96 : memref<1001x128xf32, #tpu.memory_space<hbm>>) target(%dma_start3A_91 : memref<128x128xf32, #tpu.memory_space<vmem>>) offsets(%dma_start3A_93 : memref<128xi32, #tpu.memory_space<vmem>>) semaphore(%arg11 : memref<!tpu.dma_semaphore, #tpu.memory_space<semaphore_mem>>)
    %dma_wait3A_97 = arith.constant 0 : i32
    %dma_wait3A_98 = arith.constant 0 : i32
    %dma_wait3A_99 = tpu.memref_slice %arg9[%dma_wait3A_97, %dma_wait3A_98] : memref<256x128xf32, #tpu.memory_space<vmem>> -> memref<128x128xf32, #tpu.memory_space<vmem>>
    %dma_wait3A_100 = arith.constant 0 : i32
    %dma_wait3A_101 = tpu.memref_slice %arg8[%dma_wait3A_100] : memref<512xi32, #tpu.memory_space<vmem>> -> memref<128xi32, #tpu.memory_space<vmem>>
    %dma_wait3A_102 = arith.constant 0 : i32
    %dma_wait3A_103 = arith.constant 0 : i32
    %dma_wait3A_104 = tpu.memref_slice %arg4[%dma_wait3A_102, %dma_wait3A_103] : memref<1001x128xf32, #tpu.memory_space<hbm>> -> memref<1001x128xf32, #tpu.memory_space<hbm>>
    tpu.wait_indirect_dma semaphore(%arg11 : memref<!tpu.dma_semaphore, #tpu.memory_space<semaphore_mem>>) src(%dma_wait3A_104 : memref<1001x128xf32, #tpu.memory_space<hbm>>) dst(%dma_wait3A_99 : memref<128x128xf32, #tpu.memory_space<vmem>>)
    %dma_wait3A_105 = arith.constant 128 : i32
    %dma_wait3A_106 = arith.constant 0 : i32
    %dma_wait3A_107 = tpu.memref_slice %arg9[%dma_wait3A_105, %dma_wait3A_106] : memref<256x128xf32, #tpu.memory_space<vmem>> -> memref<128x128xf32, #tpu.memory_space<vmem>>
    %dma_wait3A_108 = arith.constant 128 : i32
    %dma_wait3A_109 = tpu.memref_slice %arg8[%dma_wait3A_108] : memref<512xi32, #tpu.memory_space<vmem>> -> memref<128xi32, #tpu.memory_space<vmem>>
    %dma_wait3A_110 = arith.constant 0 : i32
    %dma_wait3A_111 = arith.constant 0 : i32
    %dma_wait3A_112 = tpu.memref_slice %arg4[%dma_wait3A_110, %dma_wait3A_111] : memref<1001x128xf32, #tpu.memory_space<hbm>> -> memref<1001x128xf32, #tpu.memory_space<hbm>>
    tpu.wait_indirect_dma semaphore(%arg11 : memref<!tpu.dma_semaphore, #tpu.memory_space<semaphore_mem>>) src(%dma_wait3A_112 : memref<1001x128xf32, #tpu.memory_space<hbm>>) dst(%dma_wait3A_107 : memref<128x128xf32, #tpu.memory_space<vmem>>)
    %add3A_113 = arith.constant 0 : i32
    %add3A_114 = arith.addi %mul3A_2, %add3A_113 : i32
    %dma_start3A_115 = arith.constant 0 : i32
    %dma_start3A_116 = tpu.memref_slice %arg6[%add3A_114, %dma_start3A_115] : memref<16384x128xf32, #tpu.memory_space<hbm>> -> memref<256x128xf32, #tpu.memory_space<hbm>>
    %dma_start3A_117 = arith.constant 0 : i32
    %dma_start3A_118 = tpu.memref_slice %arg6[%add3A_114, %dma_start3A_117] : memref<16384x128xf32, #tpu.memory_space<hbm>> -> memref<256x128xf32, #tpu.memory_space<hbm>>
    tpu.enqueue_dma source(%arg9 : memref<256x128xf32, #tpu.memory_space<vmem>>) target(%dma_start3A_118 : memref<256x128xf32, #tpu.memory_space<hbm>>) target_semaphore(%arg13 : memref<!tpu.dma_semaphore, #tpu.memory_space<semaphore_mem>>)
    %dma_wait3A_119 = arith.constant 0 : i32
    %dma_wait3A_120 = tpu.memref_slice %arg5[%add3A_72, %dma_wait3A_119] : memref<16384x128xf32, #tpu.memory_space<hbm>> -> memref<256x128xf32, #tpu.memory_space<hbm>>
    %dma_wait3A_121 = arith.constant 0 : i32
    %dma_wait3A_122 = tpu.memref_slice %arg5[%add3A_72, %dma_wait3A_121] : memref<16384x128xf32, #tpu.memory_space<hbm>> -> memref<256x128xf32, #tpu.memory_space<hbm>>
    tpu.wait_dma2 semaphore(%arg14 : memref<!tpu.dma_semaphore, #tpu.memory_space<semaphore_mem>>) src(%arg10 : memref<256x128xf32, #tpu.memory_space<vmem>>) dst(%dma_wait3A_122 : memref<256x128xf32, #tpu.memory_space<hbm>>)
    %dma_start3A_123 = arith.constant 0 : i32
    %dma_start3A_124 = arith.constant 0 : i32
    %dma_start3A_125 = tpu.memref_slice %arg10[%dma_start3A_123, %dma_start3A_124] : memref<256x128xf32, #tpu.memory_space<vmem>> -> memref<128x128xf32, #tpu.memory_space<vmem>>
    %dma_start3A_126 = arith.constant 256 : i32
    %dma_start3A_127 = tpu.memref_slice %arg8[%dma_start3A_126] : memref<512xi32, #tpu.memory_space<vmem>> -> memref<128xi32, #tpu.memory_space<vmem>>
    %dma_start3A_128 = arith.constant 0 : i32
    %dma_start3A_129 = arith.constant 0 : i32
    %dma_start3A_130 = tpu.memref_slice %arg4[%dma_start3A_128, %dma_start3A_129] : memref<1001x128xf32, #tpu.memory_space<hbm>> -> memref<1001x128xf32, #tpu.memory_space<hbm>>
    tpu.enqueue_indirect_dma source(%dma_start3A_130 : memref<1001x128xf32, #tpu.memory_space<hbm>>) target(%dma_start3A_125 : memref<128x128xf32, #tpu.memory_space<vmem>>) offsets(%dma_start3A_127 : memref<128xi32, #tpu.memory_space<vmem>>) semaphore(%arg12 : memref<!tpu.dma_semaphore, #tpu.memory_space<semaphore_mem>>)
    %dma_start3A_131 = arith.constant 128 : i32
    %dma_start3A_132 = arith.constant 0 : i32
    %dma_start3A_133 = tpu.memref_slice %arg10[%dma_start3A_131, %dma_start3A_132] : memref<256x128xf32, #tpu.memory_space<vmem>> -> memref<128x128xf32, #tpu.memory_space<vmem>>
    %dma_start3A_134 = arith.constant 384 : i32
    %dma_start3A_135 = tpu.memref_slice %arg8[%dma_start3A_134] : memref<512xi32, #tpu.memory_space<vmem>> -> memref<128xi32, #tpu.memory_space<vmem>>
    %dma_start3A_136 = arith.constant 0 : i32
    %dma_start3A_137 = arith.constant 0 : i32
    %dma_start3A_138 = tpu.memref_slice %arg4[%dma_start3A_136, %dma_start3A_137] : memref<1001x128xf32, #tpu.memory_space<hbm>> -> memref<1001x128xf32, #tpu.memory_space<hbm>>
    tpu.enqueue_indirect_dma source(%dma_start3A_138 : memref<1001x128xf32, #tpu.memory_space<hbm>>) target(%dma_start3A_133 : memref<128x128xf32, #tpu.memory_space<vmem>>) offsets(%dma_start3A_135 : memref<128xi32, #tpu.memory_space<vmem>>) semaphore(%arg12 : memref<!tpu.dma_semaphore, #tpu.memory_space<semaphore_mem>>)
    %dma_wait3A_139 = arith.constant 0 : i32
    %dma_wait3A_140 = arith.constant 0 : i32
    %dma_wait3A_141 = tpu.memref_slice %arg10[%dma_wait3A_139, %dma_wait3A_140] : memref<256x128xf32, #tpu.memory_space<vmem>> -> memref<128x128xf32, #tpu.memory_space<vmem>>
    %dma_wait3A_142 = arith.constant 256 : i32
    %dma_wait3A_143 = tpu.memref_slice %arg8[%dma_wait3A_142] : memref<512xi32, #tpu.memory_space<vmem>> -> memref<128xi32, #tpu.memory_space<vmem>>
    %dma_wait3A_144 = arith.constant 0 : i32
    %dma_wait3A_145 = arith.constant 0 : i32
    %dma_wait3A_146 = tpu.memref_slice %arg4[%dma_wait3A_144, %dma_wait3A_145] : memref<1001x128xf32, #tpu.memory_space<hbm>> -> memref<1001x128xf32, #tpu.memory_space<hbm>>
    tpu.wait_indirect_dma semaphore(%arg12 : memref<!tpu.dma_semaphore, #tpu.memory_space<semaphore_mem>>) src(%dma_wait3A_146 : memref<1001x128xf32, #tpu.memory_space<hbm>>) dst(%dma_wait3A_141 : memref<128x128xf32, #tpu.memory_space<vmem>>)
    %dma_wait3A_147 = arith.constant 128 : i32
    %dma_wait3A_148 = arith.constant 0 : i32
    %dma_wait3A_149 = tpu.memref_slice %arg10[%dma_wait3A_147, %dma_wait3A_148] : memref<256x128xf32, #tpu.memory_space<vmem>> -> memref<128x128xf32, #tpu.memory_space<vmem>>
    %dma_wait3A_150 = arith.constant 384 : i32
    %dma_wait3A_151 = tpu.memref_slice %arg8[%dma_wait3A_150] : memref<512xi32, #tpu.memory_space<vmem>> -> memref<128xi32, #tpu.memory_space<vmem>>
    %dma_wait3A_152 = arith.constant 0 : i32
    %dma_wait3A_153 = arith.constant 0 : i32
    %dma_wait3A_154 = tpu.memref_slice %arg4[%dma_wait3A_152, %dma_wait3A_153] : memref<1001x128xf32, #tpu.memory_space<hbm>> -> memref<1001x128xf32, #tpu.memory_space<hbm>>
    tpu.wait_indirect_dma semaphore(%arg12 : memref<!tpu.dma_semaphore, #tpu.memory_space<semaphore_mem>>) src(%dma_wait3A_154 : memref<1001x128xf32, #tpu.memory_space<hbm>>) dst(%dma_wait3A_149 : memref<128x128xf32, #tpu.memory_space<vmem>>)
    %add3A_155 = arith.constant 256 : i32
    %add3A_156 = arith.addi %mul3A_2, %add3A_155 : i32
    %dma_start3A_157 = arith.constant 0 : i32
    %dma_start3A_158 = tpu.memref_slice %arg6[%add3A_156, %dma_start3A_157] : memref<16384x128xf32, #tpu.memory_space<hbm>> -> memref<256x128xf32, #tpu.memory_space<hbm>>
    %dma_start3A_159 = arith.constant 0 : i32
    %dma_start3A_160 = tpu.memref_slice %arg6[%add3A_156, %dma_start3A_159] : memref<16384x128xf32, #tpu.memory_space<hbm>> -> memref<256x128xf32, #tpu.memory_space<hbm>>
    tpu.enqueue_dma source(%arg10 : memref<256x128xf32, #tpu.memory_space<vmem>>) target(%dma_start3A_160 : memref<256x128xf32, #tpu.memory_space<hbm>>) target_semaphore(%arg14 : memref<!tpu.dma_semaphore, #tpu.memory_space<semaphore_mem>>)
    %dma_wait3A_161 = arith.constant 0 : i32
    %dma_wait3A_162 = tpu.memref_slice %arg6[%add3A_114, %dma_wait3A_161] : memref<16384x128xf32, #tpu.memory_space<hbm>> -> memref<256x128xf32, #tpu.memory_space<hbm>>
    %dma_wait3A_163 = arith.constant 0 : i32
    %dma_wait3A_164 = tpu.memref_slice %arg6[%add3A_114, %dma_wait3A_163] : memref<16384x128xf32, #tpu.memory_space<hbm>> -> memref<256x128xf32, #tpu.memory_space<hbm>>
    tpu.wait_dma2 semaphore(%arg13 : memref<!tpu.dma_semaphore, #tpu.memory_space<semaphore_mem>>) src(%arg9 : memref<256x128xf32, #tpu.memory_space<vmem>>) dst(%dma_wait3A_164 : memref<256x128xf32, #tpu.memory_space<hbm>>)
    %dma_wait3A_165 = arith.constant 0 : i32
    %dma_wait3A_166 = tpu.memref_slice %arg6[%add3A_156, %dma_wait3A_165] : memref<16384x128xf32, #tpu.memory_space<hbm>> -> memref<256x128xf32, #tpu.memory_space<hbm>>
    %dma_wait3A_167 = arith.constant 0 : i32
    %dma_wait3A_168 = tpu.memref_slice %arg6[%add3A_156, %dma_wait3A_167] : memref<16384x128xf32, #tpu.memory_space<hbm>> -> memref<256x128xf32, #tpu.memory_space<hbm>>
    tpu.wait_dma2 semaphore(%arg14 : memref<!tpu.dma_semaphore, #tpu.memory_space<semaphore_mem>>) src(%arg10 : memref<256x128xf32, #tpu.memory_space<vmem>>) dst(%dma_wait3A_168 : memref<256x128xf32, #tpu.memory_space<hbm>>)
    return
  }
}

module attributes {stable_mosaic.version = 14 : i64} {
  func.func @_mlp_partial_body(%arg0: i32, %arg1: memref<4096x128xf32, #tpu.memory_space<vmem>>, %arg2: memref<4096x128xf32, #tpu.memory_space<vmem>>, %arg3: memref<128x64xf32, #tpu.memory_space<vmem>>, %arg4: memref<1x64xf32, #tpu.memory_space<vmem>>, %arg5: memref<4096x64xf32, #tpu.memory_space<vmem>>) attributes {dimension_semantics = [#tpu.dimension_semantics<arbitrary>], iteration_bounds = array<i64: 4>, scalar_prefetch = 0 : i64, scratch_operands = 0 : i64, tpu.core_type = #tpu.core_type<tc>, window_params = [{transform_indices = @transform_0, window_bounds = array<i64: 4096, 128>}, {transform_indices = @transform_1, window_bounds = array<i64: 4096, 128>}, {pipeline_mode = #tpu.pipeline_mode<synchronous>, transform_indices = @transform_2, window_bounds = array<i64: 128, 64>}, {pipeline_mode = #tpu.pipeline_mode<synchronous>, transform_indices = @transform_3, window_bounds = array<i64: 1, 64>}, {transform_indices = @transform_4, window_bounds = array<i64: 4096, 64>}]} {
    %get3A = arith.constant 0 : index
    %get3A_0 = arith.constant 0 : index
    %get3A_1 = vector.load %arg4[%get3A, %get3A_0] : memref<1x64xf32, #tpu.memory_space<vmem>>, vector<1x64xf32>
    %get3A_2 = arith.constant 0 : index
    %get3A_3 = arith.constant 0 : index
    %get3A_4 = vector.load %arg1[%get3A_2, %get3A_3] : memref<4096x128xf32, #tpu.memory_space<vmem>>, vector<4096x32xf32>
    %get3A_5 = arith.constant 32 : index
    %get3A_6 = arith.constant 0 : index
    %get3A_7 = vector.load %arg3[%get3A_5, %get3A_6] : memref<128x64xf32, #tpu.memory_space<vmem>>, vector<32x64xf32>
    %dot_general3A = arith.constant dense<0.000000e+00> : vector<4096x64xf32>
    %dot_general3A_8 = tpu.matmul %get3A_4, %get3A_7, %dot_general3A {dimension_numbers = #tpu.dot_dimension_numbers<[1], [0], [0], [1], [0, 0, 1, 1], [], []>, transpose_lhs_hint = false} : vector<4096x32xf32>, vector<32x64xf32>, vector<4096x64xf32> -> vector<4096x64xf32>
    %add3A = vector.broadcast %get3A_1 : vector<1x64xf32> to vector<4096x64xf32>
    %add3A_9 = arith.addf %add3A, %dot_general3A_8 : vector<4096x64xf32>
    %get3A_10 = arith.constant 0 : index
    %get3A_11 = arith.constant 32 : index
    %get3A_12 = vector.load %arg2[%get3A_10, %get3A_11] : memref<4096x128xf32, #tpu.memory_space<vmem>>, vector<4096x32xf32>
    %get3A_13 = arith.constant 64 : index
    %get3A_14 = arith.constant 0 : index
    %get3A_15 = vector.load %arg3[%get3A_13, %get3A_14] : memref<128x64xf32, #tpu.memory_space<vmem>>, vector<32x64xf32>
    %dot_general3A_16 = arith.constant dense<0.000000e+00> : vector<4096x64xf32>
    %dot_general3A_17 = tpu.matmul %get3A_12, %get3A_15, %dot_general3A_16 {dimension_numbers = #tpu.dot_dimension_numbers<[1], [0], [0], [1], [0, 0, 1, 1], [], []>, transpose_lhs_hint = false} : vector<4096x32xf32>, vector<32x64xf32>, vector<4096x64xf32> -> vector<4096x64xf32>
    %add3A_18 = arith.addf %add3A_9, %dot_general3A_17 : vector<4096x64xf32>
    %swap3A = arith.constant 0 : index
    %swap3A_19 = arith.constant 0 : index
    %swap3A_20 = vector.load %arg5[%swap3A, %swap3A_19] : memref<4096x64xf32, #tpu.memory_space<vmem>>, vector<4096x64xf32>
    tpu.vector_store %arg5[%swap3A, %swap3A_19], %add3A_18 {strides = array<i32>} : memref<4096x64xf32, #tpu.memory_space<vmem>>, vector<4096x64xf32>,
    return
  }
  func.func @transform_0(%arg0: i32) -> (i32, i32) {
    %c0_i32 = arith.constant 0 : i32
    %c0_i32_0 = arith.constant 0 : i32
    return %arg0, %c0_i32 : i32, i32
  }
  func.func @transform_1(%arg0: i32) -> (i32, i32) {
    %c0_i32 = arith.constant 0 : i32
    %c0_i32_0 = arith.constant 0 : i32
    return %arg0, %c0_i32 : i32, i32
  }
  func.func @transform_2(%arg0: i32) -> (i32, i32) {
    %c0_i32 = arith.constant 0 : i32
    %c0_i32_0 = arith.constant 0 : i32
    %c0_i32_1 = arith.constant 0 : i32
    return %c0_i32, %c0_i32_0 : i32, i32
  }
  func.func @transform_3(%arg0: i32) -> (i32, i32) {
    %c0_i32 = arith.constant 0 : i32
    %c0_i32_0 = arith.constant 0 : i32
    %c0_i32_1 = arith.constant 0 : i32
    return %c0_i32, %c0_i32_0 : i32, i32
  }
  func.func @transform_4(%arg0: i32) -> (i32, i32) {
    %c0_i32 = arith.constant 0 : i32
    %c0_i32_0 = arith.constant 0 : i32
    return %arg0, %c0_i32 : i32, i32
  }
}

module attributes {stable_mosaic.version = 14 : i64} {
  func.func @_mlp_final_body(%arg0: i32, %arg1: memref<4096x64xf32, #tpu.memory_space<vmem>>, %arg2: memref<4096x128xf32, #tpu.memory_space<vmem>>, %arg3: memref<4096x128xf32, #tpu.memory_space<vmem>>, %arg4: memref<128x64xf32, #tpu.memory_space<vmem>>, %arg5: memref<64x32xf32, #tpu.memory_space<vmem>>, %arg6: memref<1x32xf32, #tpu.memory_space<vmem>>, %arg7: memref<4096x32xf32, #tpu.memory_space<vmem>>) attributes {dimension_semantics = [#tpu.dimension_semantics<arbitrary>], iteration_bounds = array<i64: 4>, scalar_prefetch = 0 : i64, scratch_operands = 0 : i64, tpu.core_type = #tpu.core_type<tc>, window_params = [{transform_indices = @transform_0, window_bounds = array<i64: 4096, 64>}, {transform_indices = @transform_1, window_bounds = array<i64: 4096, 128>}, {transform_indices = @transform_2, window_bounds = array<i64: 4096, 128>}, {pipeline_mode = #tpu.pipeline_mode<synchronous>, transform_indices = @transform_3, window_bounds = array<i64: 128, 64>}, {pipeline_mode = #tpu.pipeline_mode<synchronous>, transform_indices = @transform_4, window_bounds = array<i64: 64, 32>}, {pipeline_mode = #tpu.pipeline_mode<synchronous>, transform_indices = @transform_5, window_bounds = array<i64: 1, 32>}, {transform_indices = @transform_6, window_bounds = array<i64: 4096, 32>}]} {
    %get3A = arith.constant 0 : index
    %get3A_0 = arith.constant 0 : index
    %get3A_1 = vector.load %arg1[%get3A, %get3A_0] : memref<4096x64xf32, #tpu.memory_space<vmem>>, vector<4096x64xf32>
    %get3A_2 = arith.constant 0 : index
    %get3A_3 = arith.constant 0 : index
    %get3A_4 = vector.load %arg2[%get3A_2, %get3A_3] : memref<4096x128xf32, #tpu.memory_space<vmem>>, vector<4096x32xf32>
    %get3A_5 = arith.constant 0 : index
    %get3A_6 = arith.constant 0 : index
    %get3A_7 = vector.load %arg4[%get3A_5, %get3A_6] : memref<128x64xf32, #tpu.memory_space<vmem>>, vector<32x64xf32>
    %dot_general3A = arith.constant dense<0.000000e+00> : vector<4096x64xf32>
    %dot_general3A_8 = tpu.matmul %get3A_4, %get3A_7, %dot_general3A {dimension_numbers = #tpu.dot_dimension_numbers<[1], [0], [0], [1], [0, 0, 1, 1], [], []>, transpose_lhs_hint = false} : vector<4096x32xf32>, vector<32x64xf32>, vector<4096x64xf32> -> vector<4096x64xf32>
    %add3A = arith.addf %get3A_1, %dot_general3A_8 : vector<4096x64xf32>
    %get3A_9 = arith.constant 0 : index
    %get3A_10 = arith.constant 32 : index
    %get3A_11 = vector.load %arg3[%get3A_9, %get3A_10] : memref<4096x128xf32, #tpu.memory_space<vmem>>, vector<4096x32xf32>
    %get3A_12 = arith.constant 96 : index
    %get3A_13 = arith.constant 0 : index
    %get3A_14 = vector.load %arg4[%get3A_12, %get3A_13] : memref<128x64xf32, #tpu.memory_space<vmem>>, vector<32x64xf32>
    %dot_general3A_15 = arith.constant dense<0.000000e+00> : vector<4096x64xf32>
    %dot_general3A_16 = tpu.matmul %get3A_11, %get3A_14, %dot_general3A_15 {dimension_numbers = #tpu.dot_dimension_numbers<[1], [0], [0], [1], [0, 0, 1, 1], [], []>, transpose_lhs_hint = false} : vector<4096x32xf32>, vector<32x64xf32>, vector<4096x64xf32> -> vector<4096x64xf32>
    %add3A_17 = arith.addf %add3A, %dot_general3A_16 : vector<4096x64xf32>
    %max3A = arith.constant 0.000000e+00 : f32
    %max3A_18 = vector.broadcast %max3A : f32 to vector<4096x64xf32>
    %max3A_19 = arith.maximumf %add3A_17, %max3A_18 : vector<4096x64xf32>
    %get3A_20 = arith.constant 0 : index
    %get3A_21 = arith.constant 0 : index
    %get3A_22 = vector.load %arg5[%get3A_20, %get3A_21] : memref<64x32xf32, #tpu.memory_space<vmem>>, vector<64x32xf32>
    %dot_general3A_23 = arith.constant dense<0.000000e+00> : vector<4096x32xf32>
    %dot_general3A_24 = tpu.matmul %max3A_19, %get3A_22, %dot_general3A_23 {dimension_numbers = #tpu.dot_dimension_numbers<[1], [0], [0], [1], [0, 0, 1, 1], [], []>, transpose_lhs_hint = false} : vector<4096x64xf32>, vector<64x32xf32>, vector<4096x32xf32> -> vector<4096x32xf32>
    %get3A_25 = arith.constant 0 : index
    %get3A_26 = arith.constant 0 : index
    %get3A_27 = vector.load %arg6[%get3A_25, %get3A_26] : memref<1x32xf32, #tpu.memory_space<vmem>>, vector<1x32xf32>
    %add3A_28 = vector.broadcast %get3A_27 : vector<1x32xf32> to vector<4096x32xf32>
    %add3A_29 = arith.addf %dot_general3A_24, %add3A_28 : vector<4096x32xf32>
    %swap3A = arith.constant 0 : index
    %swap3A_30 = arith.constant 0 : index
    %swap3A_31 = vector.load %arg7[%swap3A, %swap3A_30] : memref<4096x32xf32, #tpu.memory_space<vmem>>, vector<4096x32xf32>
    tpu.vector_store %arg7[%swap3A, %swap3A_30], %add3A_29 {strides = array<i32>} : memref<4096x32xf32, #tpu.memory_space<vmem>>, vector<4096x32xf32>,
    return
  }
  func.func @transform_0(%arg0: i32) -> (i32, i32) {
    %c0_i32 = arith.constant 0 : i32
    %c0_i32_0 = arith.constant 0 : i32
    return %arg0, %c0_i32 : i32, i32
  }
  func.func @transform_1(%arg0: i32) -> (i32, i32) {
    %c0_i32 = arith.constant 0 : i32
    %c0_i32_0 = arith.constant 0 : i32
    return %arg0, %c0_i32 : i32, i32
  }
  func.func @transform_2(%arg0: i32) -> (i32, i32) {
    %c0_i32 = arith.constant 0 : i32
    %c0_i32_0 = arith.constant 0 : i32
    return %arg0, %c0_i32 : i32, i32
  }
  func.func @transform_3(%arg0: i32) -> (i32, i32) {
    %c0_i32 = arith.constant 0 : i32
    %c0_i32_0 = arith.constant 0 : i32
    %c0_i32_1 = arith.constant 0 : i32
    return %c0_i32, %c0_i32_0 : i32, i32
  }
  func.func @transform_4(%arg0: i32) -> (i32, i32) {
    %c0_i32 = arith.constant 0 : i32
    %c0_i32_0 = arith.constant 0 : i32
    %c0_i32_1 = arith.constant 0 : i32
    return %c0_i32, %c0_i32_0 : i32, i32
  }
  func.func @transform_5(%arg0: i32) -> (i32, i32) {
    %c0_i32 = arith.constant 0 : i32
    %c0_i32_0 = arith.constant 0 : i32
    %c0_i32_1 = arith.constant 0 : i32
    return %c0_i32, %c0_i32_0 : i32, i32
  }
  func.func @transform_6(%arg0: i32) -> (i32, i32) {
    %c0_i32 = arith.constant 0 : i32
    %c0_i32_0 = arith.constant 0 : i32
    return %arg0, %c0_i32 : i32, i32
  }
}

</mosaic_0001>

<sc_bundles>
// kernel: kernel.6.cloned.1.call-start
scs
__scs_entry_jumppad:
0x0: {  	(pc) =	sbr.rel $0x88, $3  }
0x1: {  	(tag) =	ssettag $0x0;
	lr =	simm.s32 $0x1  }
0x2: {  	[smem:$0x3F95] =	sst lr;
	_ =	strace $0xD0000000  }
0x3: {  	_ = 	snop  }
0x4: {  	_ = 	snop  }
0x5: {  	_ = 	snop  }
0x6: {  	_ = 	snop  }
0x7: {  	_ = 	snop  }
__scs_overlays_trampoline_lowered:
0x8: {  	[smem:$0x3FA4] =	sst s0  }
0x9: {  	[smem:$0x3FA5] =	sst s1  }
0xa: {  	[smem:$0x3FA6] =	sst s2  }
0xb: {  	[smem:$0x3FA7] =	sst s3  }
0xc: {  	[smem:$0x3FA8] =	sst s4  }
0xd: {  	[smem:$0x3FA9] =	sst s5  }
0xe: {  	[smem:$0x3FAA] =	sst s6  }
0xf: {  	[smem:$0x3FAB] =	sst s7  }
0x10: {  	[smem:$0x3FAC] =	sst s8  }
0x11: {  	[smem:$0x3FAD] =	sst s9;
	s0 =	simm.s32 @!p0 $0x0  }
0x12: {  	s1 =	sld [smem:$0x3F93];
	s0 =	simm.s32 @p0 $0x1  }
0x13: {  	[smem:$0x3FAE] =	sst s0;
	s0 =	simm.s32 @!p1 $0x0  }
0x14: {  	s2 =	sld [smem:$0x3F92];
	s0 =	simm.s32 @p1 $0x1  }
0x15: {  	[smem:$0x3FAF] =	sst s0;
	s0 =	simm.s32 @!p2 $0x0  }
0x16: {  	s3 =	sld [smem:$0x3FDB];
	s0 =	simm.s32 @p2 $0x1  }
0x17: {  	s4 =	simm.s32 $0x1BF5;
	[smem:$0x3FB1] =	sst s0  }
0x18: {  	s0 =	sld [smem:$0x3F94];
	_ =	swait.ge [sflag:s4], $0x0  }
0x19: {  	s7 =	sld [smem:$0x3F95]  }
0x1a: {  	s8 =	sadd.s32 $0xFFFFE003, lr  }
0x1b: {  	s9 =	sadd.s32 $0xFFFFFEF7, lr;
	s5 =	simm.s32 $0xFFFFFFFF;
	p2 =	slt.u32 s8, $0xFFFFF086  }
0x1c: {  	p1 =	slt.u32 s9, $0xF7A;
	s5 =	simm.s32 @!p2 $0x0  }
0x1d: {  	s5 =	simm.s32 @p1 $0x1;
	p0 =	seq.s32 s7, s2  }
0x1e: {  	s7 =	smul.u32 @!p0 $0xF7A, s2;
	p2 =	seq.s32 @!p0 s5, $0x0  }
0x1f: {  	s9 =	smul.u32 $0xF7A, s1;
	s8 =	simm.s32 @!p0 $0x1BF5;
	p2 =	por !p2, p0  }
0x20: {  	[sflag:s8] =	ssyncset.s32 @!p0 $0xFFFFF086;
	s6 =	sadd.s32 @!p0 s3, s7;
	s7 =	simm.s32 @!p0 $0x108  }
0x21: {  	s3 =	sadd.s32 s3, s9;
	s6 =	sadd.s32 @!p0 $0x88, s6;
	s7 =	simm.s32 @p2 $0x1082  }
0x22: {  	[simem:s7], [sflag:s8] =	dma.local @!p0 [hbm:s6], $0xF7A  }
0x23: {  	s9 =	sor.u32 $0xD0000000, s2;
	s6 =	simm.s32 $0x108;
	_ =	swait.ge @!p0 [sflag:s8], $0x0  }
0x24: {  	s3 =	sadd.s32 $0x88, s3;
	s6 =	simm.s32 @!p1 $0x1082;
	[sflag:s4] =	ssyncset.s32 $0xFFFFF086  }
0x25: {  	[simem:s6], [sflag:s4] =	dma.local [hbm:s3], $0xF7A  }
0x26: {  	[smem:$0x3F95] =	sst s1;
	(tag) =	ssettag s2;
	_ =	strace s9  }
0x27: {  	s1 =	sld [smem:$0x3FA5]  }
0x28: {  	s2 =	sld [smem:$0x3FA6]  }
0x29: {  	s4 =	sld [smem:$0x3FA8]  }
0x2a: {  	p0 =	seq.s32 s5, $0x0;
	s5 =	sld [smem:$0x3FA9]  }
0x2b: {  	s6 =	sld [smem:$0x3FAA]  }
0x2c: {  	s7 =	sld [smem:$0x3FAB]  }
0x2d: {  	s3 =	simm.s32 $0x108;
	s8 =	sld [smem:$0x3FAC]  }
0x2e: {  	s3 =	simm.s32 @!p0 $0x1082;
	s9 =	sld [smem:$0x3FAD]  }
0x2f: {  	lr =	sadd.s32 s0, s3;
	s0 =	sld [smem:$0x3FA4]  }
0x30: {  	s3 =	sld [smem:$0x3FA7]  }
0x31: {  	[smem:$0x3FB0] =	sst s10  }
0x32: {  	s10 =	sld [smem:$0x3FAE];
	_ =	sdelay $0x3  }
0x33: {  	p0 =	seq.s32 s10, $0x1;
	s10 =	sld [smem:$0x3FB0];
	_ =	sdelay $0x3  }
0x34: {  	[smem:$0x3FB0] =	sst s10  }
0x35: {  	s10 =	sld [smem:$0x3FAF];
	_ =	sdelay $0x3  }
0x36: {  	p1 =	seq.s32 s10, $0x1;
	s10 =	sld [smem:$0x3FB0];
	_ =	sdelay $0x3  }
0x37: {  	[smem:$0x3FB0] =	sst s10  }
0x38: {  	s10 =	sld [smem:$0x3FB1]  }
0x39: {  	_ = 	snop;
	(pc) =	sbr.ind lr, $3  }
0x3a: {  	_ = 	snop  }
0x3b: {  	_ = 	snop  }
0x3c: {  	p2 =	seq.s32 s10, $0x1;
	s10 =	sld [smem:$0x3FB0]  }
0x3d: {  	_ =	shalt  }
0x3e: {  	_ =	shalt  }
0x3f: {  	_ =	shalt  }
0x40: {  	_ =	shalt  }
0x41: {  	_ =	shalt  }
0x42: {  	_ =	shalt  }
0x43: {  	_ =	shalt  }
0x44: {  	_ =	shalt  }
0x45: {  	_ =	shalt  }
0x46: {  	_ =	shalt  }
0x47: {  	_ =	shalt  }
0x48: {  	_ =	shalt  }
0x49: {  	_ =	shalt  }
0x4a: {  	_ =	shalt  }
0x4b: {  	_ =	shalt  }
0x4c: {  	_ =	shalt  }
0x4d: {  	_ =	shalt  }
0x4e: {  	_ =	shalt  }
0x4f: {  	_ =	shalt  }
0x50: {  	_ =	shalt  }
0x51: {  	_ =	shalt  }
0x52: {  	_ =	shalt  }
0x53: {  	_ =	shalt  }
0x54: {  	_ =	shalt  }
0x55: {  	_ =	shalt  }
0x56: {  	_ =	shalt  }
0x57: {  	_ =	shalt  }
0x58: {  	_ =	shalt  }
0x59: {  	_ =	shalt  }
0x5a: {  	_ =	shalt  }
0x5b: {  	_ =	shalt  }
0x5c: {  	_ =	shalt  }
0x5d: {  	_ =	shalt  }
0x5e: {  	_ =	shalt  }
0x5f: {  	_ =	shalt  }
0x60: {  	_ =	shalt  }
0x61: {  	_ =	shalt  }
0x62: {  	_ =	shalt  }
0x63: {  	_ =	shalt  }
0x64: {  	_ =	shalt  }
0x65: {  	_ =	shalt  }
0x66: {  	_ =	shalt  }
0x67: {  	_ =	shalt  }
0x68: {  	_ =	shalt  }
0x69: {  	_ =	shalt  }
0x6a: {  	_ =	shalt  }
0x6b: {  	_ =	shalt  }
0x6c: {  	_ =	shalt  }
0x6d: {  	_ =	shalt  }
0x6e: {  	_ =	shalt  }
0x6f: {  	_ =	shalt  }
0x70: {  	_ =	shalt  }
0x71: {  	_ =	shalt  }
0x72: {  	_ =	shalt  }
0x73: {  	_ =	shalt  }
0x74: {  	_ =	shalt  }
0x75: {  	_ =	shalt  }
0x76: {  	_ =	shalt  }
0x77: {  	_ =	shalt  }
0x78: {  	_ =	shalt  }
0x79: {  	_ =	shalt  }
0x7a: {  	_ =	shalt  }
0x7b: {  	_ =	shalt  }
0x7c: {  	_ =	shalt  }
0x7d: {  	_ =	shalt  }
0x7e: {  	_ =	shalt  }
0x7f: {  	_ =	shalt  }
0x80: {  	_ =	shalt  }
0x81: {  	_ =	shalt  }
0x82: {  	_ =	shalt  }
0x83: {  	_ =	shalt  }
0x84: {  	_ =	shalt  }
0x85: {  	_ =	shalt  }
0x86: {  	_ =	shalt  }
0x87: {  	_ =	shalt  }
.Lfunc_end0:
.L_simem_size_0:
called_computation_lowered:
.L_overlay_start_0:
0x88: {  	s2 =	sld [smem:$0x3FD9]  }
0x89: {  	s3 =	sld [smem:$0x3FFE];
	_ =	sdelay $0x1  }
0x8a: {  	s1 =	srdreg.scid  }
0x8b: {  	s0 =	sand.u32 $0x1, s1  }
0x8c: {  	s17 =	sshll.u32 s0, $0xA;
	s2 =	sadd.s32 s3, s2  }
0x8d: {  	s2 =	sadd.s32 s2, s17  }
0x8e: {  	[smem:$0x3FBC] =	sst s2  }
0x8f: {  	_ = 	snop  }
0x90: {  	s2 =	sld [smem:$0x3FC8]  }
0x91: {  	s18 =	sld [smem:$0x3FC7]  }
0x92: {  	s4 =	sld [smem:$0x3FD0];
	(tm) =	ssettm $0x1  }
0x93: {  	s5 =	sld [smem:$0x3FFB];
	_ =	sdelay $0x3  }
0x94: {  	_ =	strace s5  }
0x95: {  	s5 =	sld [smem:$0x3FFC];
	_ =	sdelay $0x3  }
0x96: {  	_ =	strace s5  }
0x97: {  	s5 =	sld [smem:$0x3FFD];
	_ =	sdelay $0x3  }
0x98: {  	_ =	strace s5  }
0x99: {  	_ =	strace $0x8FFFFFFF  }
0x9a: {  	s19 =	sld [smem:$0x3FDB];
	_ =	sdelay $0x1  }
0x9b: {  	s6 =	simm.s32 $_scs_section_size  }
0x9c: {  	s7 =	simm.s32 $_size__tile_overlayer_lowered;
	s8 =	simm.s32 $_tile_overlayer_lowered  }
0x9d: {  	s22 =	simm.s32 $0x1BFF;
	s21 =	sshll.u32 s8, $0x1;
	s5 =	sadd.s32 s6, s19  }
0x9e: {  	s9 =	simm.s32 $0x0;
	s20 =	sshll.u32 s7, $0x1;
	s7 =	sadd.s32 s21, s5  }
0x9f: {  	[timem:s9], [sflag:s22] =	dma.local [hbm:s7], s20  }
0xa0: {  	_ =	swait.ge [sflag:s22], s20  }
0xa1: {  	s6 =	ssub.s32 $0x0, s20;
	[sflag:s22] =	ssyncset.done $0x0  }
0xa2: {  	[sflag:s22] =	ssyncadd.s32 s6;
	_ =	sdelay $0x1  }
0xa3: {  	s23 =	simm.s32 $0x1B8B  }
0xa4: {  	_ =	swait.ge [sflag:s23], $0x1  }
0xa5: {  	[sflag:s23] =	ssyncset.done $0x0  }
0xa6: {  	s25 =	simm.s32 $0x1B8E;
	s24 =	sld [smem:$0x3FFE];
	[sflag:s23] =	ssyncadd.s32 $0xFFFFFFFF  }
0xa7: {  	s26 =	simm.s32 $execute0_lowered;
	[smem:$0x3FD2] =	sst s25  }
0xa8: {  	s7 =	sshll.u32 s26, $0x1;
	_ =	strace $0x80000046;
	[dreg:$0x1] =	wrdreg $0xFFFFFFFF  }
0xa9: {  	s28 =	simm.s32 $_size_execute0_lowered;
	s5 =	sadd.s32 s5, s7;
	[dreg:$0x0] =	wrdreg $0x0  }
0xaa: {  	s7 =	sshll.u32 s28, $0x1;
	[dreg:$0x2] =	wrdreg s5  }
0xab: {  	[dreg:$0x3] =	wrdreg s7  }
0xac: {  	[dreg:$0x4] =	wrdreg $0xC0  }
0xad: {  	_ =	task [dreg:s9], $0x5FFFF  }
0xae: {  	[dreg:$0x1] =	wrdreg $0xFFFFFFFF  }
0xaf: {  	[dreg:$0x0] =	wrdreg $0x60  }
0xb0: {  	[dreg:$0x2] =	wrdreg s2  }
0xb1: {  	[dreg:$0x3] =	wrdreg s18  }
0xb2: {  	[dreg:$0x4] =	wrdreg s4  }
0xb3: {  	[dreg:$0x5] =	wrdreg s24  }
0xb4: {  	[dreg:$0x6] =	wrdreg $0x9  }
0xb5: {  	_ =	task.clear_ibuf [dreg:s9], $0x7FFFF;
	_ =	strace $0x90000046  }
0xb6: {  	s29 =	simm.s32 $0x9;
	_ =	strace $0x80000048  }
0xb7: {  	_ =	swait.ge [sflag:s29], $0x1  }
0xb8: {  	[sflag:s29] =	ssyncadd.s32 $0xFFFFFFFF  }
0xb9: {  	_ =	strace $0x90000048  }
0xba: {  	_ =	sfence  }
0xbb: {  	s30 =	sld [smem:$0x0];
	_ =	sdelay $0x2  }
0xbc: {  	s31 =	sshll.u32 s1, $0xD;
	s1 =	sshrl.u32 s1, $0x2  }
0xbd: {  	s3 =	sand.u32 $0x4000, s31;
	s1 =	sadd.s32 s1, s30  }
0xbe: {  	s0 =	sor.u32 s3, s0;
	s1 =	sshll.u32 s1, $0x11  }
0xbf: {  	s0 =	sor.u32 s1, s0  }
0xc0: {  	s0 =	sadd.s32 $0x8F2B, s0  }
0xc1: {  	[sflag:s0] =	ssyncadd.remote.s32 $0x1  }
0xc2: {  	_ =	sfence.sel $0xFFFF  }
0xc3: {  	[dreg:$0x0] =	wrdreg $0xFFFFFFFF;
	(pc) =	sbr.abs _section_cstart, $3  }
0xc4: {  	[dreg:$0x1] =	wrdreg $0xFFFFFFFF  }
0xc5: {  	_ =	task.clear_ibuf [dreg:s9], $0x2FFFF;
	_ =	strace $0x9FFFFFFF  }
0xc6: {  	(tm) =	ssettm $0x7FFFFFFF  }
0xc7: {  	_ =	shalt  }
tec
execute0_lowered:
.L_overlay_start_1:
0x0: {  	(tag) =	ssettag $0x1  }
0x1: {  	s4 =	rddreg [dreg:$0x0]  }
0x2: {  	s6 =	rddreg [dreg:$0x1];
	s1 =	srdreg.scid  }
0x3: {  	s2 =	rddreg [dreg:$0x2];
	s0 =	stileid.u32;
	s26 =	sand.u32 $0x1, s1  }
0x4: {  	s21 =	rddreg [dreg:$0x3];
	s5 =	sshll.u32 s0, $0xA;
	s7 =	sshll.u32 s26, $0x9  }
0x5: {  	s3 =	simm.s32 $0x0;
	s1 =	rddreg [dreg:$0x4];
	s12 =	sor.u32 s7, s5  }
0x6: {  	[smem:$0x7FF] =	sst s3;
	s7 =	sshrl.u32 s12, $0x3  }
0x7: {  	_ =	strace $0x80000047;
	s5 =	simm.s32 $0x5;
	s4 =	sadd.s32 s4, s7  }
0x8: {  	[tilespmem:s3], [sflag:$0x5] =	stream.linear.gather [hbm4b:s4+s3], $0x200, $0x38;
	[tilespmem:$0x10400] =	vst v63  }
0x9: {  	_ =	swait.ge [sflag:s5], $0x200  }
0xa: {  	[sflag:s5] =	ssyncset.done $0x0  }
0xb: {  	s6 =	sadd.s32 s6, s7;
	s7 =	simm.s32 $0x200;
	[sflag:s5] =	ssyncadd.s32 $0xFFFFFE00  }
0xc: {  	[tilespmem:s7], [sflag:$0x5] =	stream.linear.gather [hbm4b:s6+s3], $0x200, $0x38;
	[tilespmem:$0x10400] =	vst v63  }
0xd: {  	_ =	swait.ge [sflag:s5], $0x200  }
0xe: {  	[sflag:s5] =	ssyncset.done $0x0  }
0xf: {  	s8 =	simm.s32 $0x80;
	s9 =	simm.s32 $0x400;
	[sflag:s5] =	ssyncadd.s32 $0xFFFFFE00  }
0x10: {  	[tilespmem:s9], [sflag:$0x1] =	stream.indirect.gather [hbm4b:s2+s8], $0x80, s3, s8, $0xb8;
	[tilespmem:$0x10400] =	vst v63  }
0x11: {  	s10 =	simm.s32 $0x4400;
	s11 =	simm.s32 $0x1  }
0x12: {  	[tilespmem:s10], [sflag:$0x1] =	stream.indirect.gather [hbm4b:s2+s8], $0x80, s8, s8, $0xb8;
	[tilespmem:$0x10400] =	vst v63  }
0x13: {  	_ =	swait.ge [sflag:s11], $0x4000  }
0x14: {  	[sflag:s11] =	ssyncset.done $0x0  }
0x15: {  	[sflag:s11] =	ssyncadd.s32 $0xFFFFC000  }
0x16: {  	_ =	swait.ge [sflag:s11], $0x4000  }
0x17: {  	s18 =	sadd.s32 $0x2A00, s21;
	s22 =	sshll.u32 s12, $0x4;
	[sflag:s11] =	ssyncset.done $0x0  }
0x18: {  	s12 =	sadd.s32 s18, s22;
	[sflag:s11] =	ssyncadd.s32 $0xFFFFC000  }
0x19: {  	[hbm4b:s12+s3] =	stream.linear.scatter [tilespmem:s9], [sflag:$0x3], $0x8000, $0x38;
	[tilespmem:$0x10400] =	vst v63  }
0x1a: {  	s13 =	simm.s32 $0x100;
	s14 =	simm.s32 $0x8400  }
0x1b: {  	[tilespmem:s14], [sflag:$0x2] =	stream.indirect.gather [hbm4b:s2+s8], $0x80, s13, s8, $0xb8;
	[tilespmem:$0x10400] =	vst v63  }
0x1c: {  	s15 =	simm.s32 $0x180;
	s16 =	simm.s32 $0xC400;
	s17 =	simm.s32 $0x2  }
0x1d: {  	[tilespmem:s16], [sflag:$0x2] =	stream.indirect.gather [hbm4b:s2+s8], $0x80, s15, s8, $0xb8;
	[tilespmem:$0x10400] =	vst v63  }
0x1e: {  	_ =	swait.ge [sflag:s17], $0x4000  }
0x1f: {  	[sflag:s17] =	ssyncset.done $0x0  }
0x20: {  	[sflag:s17] =	ssyncadd.s32 $0xFFFFC000  }
0x21: {  	_ =	swait.ge [sflag:s17], $0x4000  }
0x22: {  	s25 =	sor.u32 $0x1000, s22;
	[sflag:s17] =	ssyncset.done $0x0  }
0x23: {  	s19 =	simm.s32 $0x3;
	s18 =	sadd.s32 s18, s25;
	[sflag:s17] =	ssyncadd.s32 $0xFFFFC000  }
0x24: {  	[hbm4b:s18+s3] =	stream.linear.scatter [tilespmem:s14], [sflag:$0x4], $0x8000, $0x38;
	[tilespmem:$0x10400] =	vst v63  }
0x25: {  	_ =	swait.ge [sflag:s19], $0x8000  }
0x26: {  	[sflag:s19] =	ssyncset.done $0x0  }
0x27: {  	[sflag:s19] =	ssyncadd.s32 $0xFFFF8000  }
0x28: {  	[tilespmem:s9], [sflag:$0x1] =	stream.indirect.gather [hbm4b:s2+s8], $0x80, s7, s8, $0xb8;
	[tilespmem:$0x10400] =	vst v63  }
0x29: {  	s20 =	simm.s32 $0x280  }
0x2a: {  	[tilespmem:s10], [sflag:$0x1] =	stream.indirect.gather [hbm4b:s2+s8], $0x80, s20, s8, $0xb8;
	[tilespmem:$0x10400] =	vst v63  }
0x2b: {  	_ =	swait.ge [sflag:s11], $0x4000  }
0x2c: {  	[sflag:s11] =	ssyncset.done $0x0  }
0x2d: {  	[sflag:s11] =	ssyncadd.s32 $0xFFFFC000  }
0x2e: {  	_ =	swait.ge [sflag:s11], $0x4000  }
0x2f: {  	s28 =	sadd.s32 $0x42A00, s21;
	[sflag:s11] =	ssyncset.done $0x0  }
0x30: {  	s21 =	simm.s32 $0x4;
	s22 =	sadd.s32 s28, s22;
	[sflag:s11] =	ssyncadd.s32 $0xFFFFC000  }
0x31: {  	[hbm4b:s22+s3] =	stream.linear.scatter [tilespmem:s9], [sflag:$0x3], $0x8000, $0x38;
	[tilespmem:$0x10400] =	vst v63  }
0x32: {  	_ =	swait.ge [sflag:s21], $0x8000  }
0x33: {  	[sflag:s21] =	ssyncset.done $0x0  }
0x34: {  	s23 =	simm.s32 $0x300;
	[sflag:s21] =	ssyncadd.s32 $0xFFFF8000  }
0x35: {  	[tilespmem:s14], [sflag:$0x2] =	stream.indirect.gather [hbm4b:s2+s8], $0x80, s23, s8, $0xb8;
	[tilespmem:$0x10400] =	vst v63  }
0x36: {  	s24 =	simm.s32 $0x380  }
0x37: {  	[tilespmem:s16], [sflag:$0x2] =	stream.indirect.gather [hbm4b:s2+s8], $0x80, s24, s8, $0xb8;
	[tilespmem:$0x10400] =	vst v63  }
0x38: {  	_ =	swait.ge [sflag:s17], $0x4000  }
0x39: {  	s26 =	ssub.s32 $0x2, s26;
	[sflag:s17] =	ssyncset.done $0x0  }
0x3a: {  	s31 =	sshrl.u32 s26, $0x1;
	[sflag:s17] =	ssyncadd.s32 $0xFFFFC000  }
0x3b: {  	s26 =	ssub.s32 s26, s31;
	_ =	swait.ge [sflag:s17], $0x4000  }
0x3c: {  	s26 =	smax.u32 s26, $0x1;
	[sflag:s17] =	ssyncset.done $0x0  }
0x3d: {  	s25 =	sadd.s32 s28, s25;
	p0 =	sne.s32 s26, $0x1;
	[sflag:s17] =	ssyncadd.s32 $0xFFFFC000  }
0x3e: {  	[hbm4b:s25+s3] =	stream.linear.scatter [tilespmem:s14], [sflag:$0x4], $0x8000, $0x38;
	[tilespmem:$0x10400] =	vst v63  }
.Ltmp0:
0x3f: {  	_ =	swait.ge [sflag:s19], $0x8000;
	(pc) =	sbr.rel @!p0 .LBB2_2-.Ltmp0, $4  }
0x40: {  	[sflag:s19] =	ssyncset.done $0x0  }
0x41: {  	[sflag:s19] =	ssyncadd.s32 $0xFFFF8000  }
0x42: {  	_ =	swait.ge [sflag:s21], $0x8000  }
0x43: {  	s26 =	sadd.s32 $0xFFFFFFFF, s26;
	[sflag:s21] =	ssyncset.done $0x0  }
.LBB2_1:
0x44: {  	p0 =	sne.s32 s26, $0x1;
	s26 =	sadd.s32 $0xFFFFFFFF, s26;
	[sflag:s21] =	ssyncadd.s32 $0xFFFF8000  }
0x45: {  	[tilespmem:s3], [sflag:$0x5] =	stream.linear.gather [hbm4b:s4+s3], $0x200, $0x38;
	[tilespmem:$0x10400] =	vst v63  }
0x46: {  	_ =	swait.ge [sflag:s5], $0x200  }
0x47: {  	[sflag:s5] =	ssyncset.done $0x0  }
0x48: {  	[sflag:s5] =	ssyncadd.s32 $0xFFFFFE00  }
0x49: {  	[tilespmem:s7], [sflag:$0x5] =	stream.linear.gather [hbm4b:s6+s3], $0x200, $0x38;
	[tilespmem:$0x10400] =	vst v63  }
0x4a: {  	_ =	swait.ge [sflag:s5], $0x200  }
0x4b: {  	[sflag:s5] =	ssyncset.done $0x0  }
0x4c: {  	[sflag:s5] =	ssyncadd.s32 $0xFFFFFE00  }
0x4d: {  	[tilespmem:s9], [sflag:$0x1] =	stream.indirect.gather [hbm4b:s2+s8], $0x80, s3, s8, $0xb8;
	[tilespmem:$0x10400] =	vst v63  }
0x4e: {  	_ = 	snop  }
0x4f: {  	[tilespmem:s10], [sflag:$0x1] =	stream.indirect.gather [hbm4b:s2+s8], $0x80, s8, s8, $0xb8;
	[tilespmem:$0x10400] =	vst v63  }
0x50: {  	_ =	swait.ge [sflag:s11], $0x4000  }
0x51: {  	[sflag:s11] =	ssyncset.done $0x0  }
0x52: {  	[sflag:s11] =	ssyncadd.s32 $0xFFFFC000  }
0x53: {  	_ =	swait.ge [sflag:s11], $0x4000  }
0x54: {  	[sflag:s11] =	ssyncset.done $0x0  }
0x55: {  	[sflag:s11] =	ssyncadd.s32 $0xFFFFC000  }
0x56: {  	[hbm4b:s12+s3] =	stream.linear.scatter [tilespmem:s9], [sflag:$0x3], $0x8000, $0x38;
	[tilespmem:$0x10400] =	vst v63  }
0x57: {  	_ = 	snop  }
0x58: {  	[tilespmem:s14], [sflag:$0x2] =	stream.indirect.gather [hbm4b:s2+s8], $0x80, s13, s8, $0xb8;
	[tilespmem:$0x10400] =	vst v63  }
0x59: {  	_ = 	snop  }
0x5a: {  	[tilespmem:s16], [sflag:$0x2] =	stream.indirect.gather [hbm4b:s2+s8], $0x80, s15, s8, $0xb8;
	[tilespmem:$0x10400] =	vst v63  }
0x5b: {  	_ =	swait.ge [sflag:s17], $0x4000  }
0x5c: {  	[sflag:s17] =	ssyncset.done $0x0  }
0x5d: {  	[sflag:s17] =	ssyncadd.s32 $0xFFFFC000  }
0x5e: {  	_ =	swait.ge [sflag:s17], $0x4000  }
0x5f: {  	[sflag:s17] =	ssyncset.done $0x0  }
0x60: {  	[sflag:s17] =	ssyncadd.s32 $0xFFFFC000  }
0x61: {  	[hbm4b:s18+s3] =	stream.linear.scatter [tilespmem:s14], [sflag:$0x4], $0x8000, $0x38;
	[tilespmem:$0x10400] =	vst v63  }
0x62: {  	_ =	swait.ge [sflag:s19], $0x8000  }
0x63: {  	[sflag:s19] =	ssyncset.done $0x0  }
0x64: {  	[sflag:s19] =	ssyncadd.s32 $0xFFFF8000  }
0x65: {  	[tilespmem:s9], [sflag:$0x1] =	stream.indirect.gather [hbm4b:s2+s8], $0x80, s7, s8, $0xb8;
	[tilespmem:$0x10400] =	vst v63  }
0x66: {  	_ = 	snop  }
0x67: {  	[tilespmem:s10], [sflag:$0x1] =	stream.indirect.gather [hbm4b:s2+s8], $0x80, s20, s8, $0xb8;
	[tilespmem:$0x10400] =	vst v63  }
0x68: {  	_ =	swait.ge [sflag:s11], $0x4000  }
0x69: {  	[sflag:s11] =	ssyncset.done $0x0  }
0x6a: {  	[sflag:s11] =	ssyncadd.s32 $0xFFFFC000  }
0x6b: {  	_ =	swait.ge [sflag:s11], $0x4000  }
0x6c: {  	[sflag:s11] =	ssyncset.done $0x0  }
0x6d: {  	[sflag:s11] =	ssyncadd.s32 $0xFFFFC000  }
0x6e: {  	[hbm4b:s22+s3] =	stream.linear.scatter [tilespmem:s9], [sflag:$0x3], $0x8000, $0x38;
	[tilespmem:$0x10400] =	vst v63  }
0x6f: {  	_ =	swait.ge [sflag:s21], $0x8000  }
0x70: {  	[sflag:s21] =	ssyncset.done $0x0  }
0x71: {  	[sflag:s21] =	ssyncadd.s32 $0xFFFF8000  }
0x72: {  	[tilespmem:s14], [sflag:$0x2] =	stream.indirect.gather [hbm4b:s2+s8], $0x80, s23, s8, $0xb8;
	[tilespmem:$0x10400] =	vst v63  }
0x73: {  	_ = 	snop  }
0x74: {  	[tilespmem:s16], [sflag:$0x2] =	stream.indirect.gather [hbm4b:s2+s8], $0x80, s24, s8, $0xb8;
	[tilespmem:$0x10400] =	vst v63  }
0x75: {  	_ =	swait.ge [sflag:s17], $0x4000  }
0x76: {  	[sflag:s17] =	ssyncset.done $0x0  }
0x77: {  	[sflag:s17] =	ssyncadd.s32 $0xFFFFC000  }
0x78: {  	_ =	swait.ge [sflag:s17], $0x4000  }
0x79: {  	[sflag:s17] =	ssyncset.done $0x0  }
0x7a: {  	[sflag:s17] =	ssyncadd.s32 $0xFFFFC000  }
0x7b: {  	[hbm4b:s25+s3] =	stream.linear.scatter [tilespmem:s14], [sflag:$0x4], $0x8000, $0x38;
	[tilespmem:$0x10400] =	vst v63  }
.Ltmp1:
0x7c: {  	_ =	swait.ge [sflag:s19], $0x8000;
	(pc) =	sbr.rel @p0 .LBB2_1-.Ltmp1, $4  }
0x7d: {  	[sflag:s19] =	ssyncset.done $0x0  }
0x7e: {  	[sflag:s19] =	ssyncadd.s32 $0xFFFF8000  }
0x7f: {  	_ =	swait.ge [sflag:s21], $0x8000  }
0x80: {  	[sflag:s21] =	ssyncset.done $0x0  }
.LBB2_2:
0x81: {  	[sflag:s21] =	ssyncadd.s32 $0xFFFF8000  }
0x82: {  	_ =	sfence.sel $0x180000  }
0x83: {  	[bflag:$0x0] =	sbarrier.arrive $0xFFFF  }
0x84: {  	p0 =	sne.s32 s0, $0x0;
	_ =	strace $0x90000047  }
0x85: {  	s0 =	sadd.s32 @!p0 $0x100000, s1;
	[bflag:$0x2] =	sbarrier.arrive $0xFFFF  }
0x86: {  	[sflag:s0] =	ssyncadd.tile.s32 @!p0 $0x1;
	_ =	shalt  }
.Lfunc_end2:
_tile_overlayer_lowered:
.L_overlay_start_2:
0x87: {  	(tag) =	ssettag $0x2  }
0x88: {  	s0 =	rddreg [dreg:$0x0];
	s2 =	stileid.u32  }
0x89: {  	s1 =	rddreg [dreg:$0x1];
	p0 =	sne.s32 s2, $0x0  }
0x8a: {  	s3 =	rddreg [dreg:$0x2];
	[bflag:$0x3] =	sbarrier.arrive $0xFFFF;
	s2 =	simm.s32 @!p0 $0x1C05  }
0x8b: {  	[timem:s3], [sflag:s2] =	dma.local @!p0 [hbm:s0], s1  }
0x8c: {  	s0 =	simm.s32 @!p0 $0x5  }
0x8d: {  	_ =	swait.ge @!p0 [sflag:s0], s1  }
0x8e: {  	s1 =	ssub.s32 @!p0 $0x0, s1;
	[sflag:s0] =	ssyncset.done @!p0 $0x0  }
0x8f: {  	[sflag:s0] =	ssyncadd.s32 @!p0 s1  }
0x90: {  	[bflag:$0x3] =	sbarrier.arrive $0xFFFF  }
0x91: {  	_ =	shalt  }

// kernel: kernel.9.cloned.1.call-start
scs
__scs_entry_jumppad:
0x0: {  	(pc) =	sbr.rel $0x88, $3  }
0x1: {  	(tag) =	ssettag $0x0;
	lr =	simm.s32 $0x1  }
0x2: {  	[smem:$0x3F95] =	sst lr;
	_ =	strace $0xD0000000  }
0x3: {  	_ = 	snop  }
0x4: {  	_ = 	snop  }
0x5: {  	_ = 	snop  }
0x6: {  	_ = 	snop  }
0x7: {  	_ = 	snop  }
__scs_overlays_trampoline_lowered:
0x8: {  	[smem:$0x3FA4] =	sst s0  }
0x9: {  	[smem:$0x3FA5] =	sst s1  }
0xa: {  	[smem:$0x3FA6] =	sst s2  }
0xb: {  	[smem:$0x3FA7] =	sst s3  }
0xc: {  	[smem:$0x3FA8] =	sst s4  }
0xd: {  	[smem:$0x3FA9] =	sst s5  }
0xe: {  	[smem:$0x3FAA] =	sst s6  }
0xf: {  	[smem:$0x3FAB] =	sst s7  }
0x10: {  	[smem:$0x3FAC] =	sst s8  }
0x11: {  	[smem:$0x3FAD] =	sst s9;
	s0 =	simm.s32 @!p0 $0x0  }
0x12: {  	s1 =	sld [smem:$0x3F93];
	s0 =	simm.s32 @p0 $0x1  }
0x13: {  	[smem:$0x3FAE] =	sst s0;
	s0 =	simm.s32 @!p1 $0x0  }
0x14: {  	s2 =	sld [smem:$0x3F92];
	s0 =	simm.s32 @p1 $0x1  }
0x15: {  	[smem:$0x3FAF] =	sst s0;
	s0 =	simm.s32 @!p2 $0x0  }
0x16: {  	s3 =	sld [smem:$0x3FDB];
	s0 =	simm.s32 @p2 $0x1  }
0x17: {  	s4 =	simm.s32 $0x1BF5;
	[smem:$0x3FB1] =	sst s0  }
0x18: {  	s0 =	sld [smem:$0x3F94];
	_ =	swait.ge [sflag:s4], $0x0  }
0x19: {  	s7 =	sld [smem:$0x3F95]  }
0x1a: {  	s8 =	sadd.s32 $0xFFFFE003, lr  }
0x1b: {  	s9 =	sadd.s32 $0xFFFFFEF7, lr;
	s5 =	simm.s32 $0xFFFFFFFF;
	p2 =	slt.u32 s8, $0xFFFFF086  }
0x1c: {  	p1 =	slt.u32 s9, $0xF7A;
	s5 =	simm.s32 @!p2 $0x0  }
0x1d: {  	s5 =	simm.s32 @p1 $0x1;
	p0 =	seq.s32 s7, s2  }
0x1e: {  	s7 =	smul.u32 @!p0 $0xF7A, s2;
	p2 =	seq.s32 @!p0 s5, $0x0  }
0x1f: {  	s9 =	smul.u32 $0xF7A, s1;
	s8 =	simm.s32 @!p0 $0x1BF5;
	p2 =	por !p2, p0  }
0x20: {  	[sflag:s8] =	ssyncset.s32 @!p0 $0xFFFFF086;
	s6 =	sadd.s32 @!p0 s3, s7;
	s7 =	simm.s32 @!p0 $0x108  }
0x21: {  	s3 =	sadd.s32 s3, s9;
	s6 =	sadd.s32 @!p0 $0x88, s6;
	s7 =	simm.s32 @p2 $0x1082  }
0x22: {  	[simem:s7], [sflag:s8] =	dma.local @!p0 [hbm:s6], $0xF7A  }
0x23: {  	s9 =	sor.u32 $0xD0000000, s2;
	s6 =	simm.s32 $0x108;
	_ =	swait.ge @!p0 [sflag:s8], $0x0  }
0x24: {  	s3 =	sadd.s32 $0x88, s3;
	s6 =	simm.s32 @!p1 $0x1082;
	[sflag:s4] =	ssyncset.s32 $0xFFFFF086  }
0x25: {  	[simem:s6], [sflag:s4] =	dma.local [hbm:s3], $0xF7A  }
0x26: {  	[smem:$0x3F95] =	sst s1;
	(tag) =	ssettag s2;
	_ =	strace s9  }
0x27: {  	s1 =	sld [smem:$0x3FA5]  }
0x28: {  	s2 =	sld [smem:$0x3FA6]  }
0x29: {  	s4 =	sld [smem:$0x3FA8]  }
0x2a: {  	p0 =	seq.s32 s5, $0x0;
	s5 =	sld [smem:$0x3FA9]  }
0x2b: {  	s6 =	sld [smem:$0x3FAA]  }
0x2c: {  	s7 =	sld [smem:$0x3FAB]  }
0x2d: {  	s3 =	simm.s32 $0x108;
	s8 =	sld [smem:$0x3FAC]  }
0x2e: {  	s3 =	simm.s32 @!p0 $0x1082;
	s9 =	sld [smem:$0x3FAD]  }
0x2f: {  	lr =	sadd.s32 s0, s3;
	s0 =	sld [smem:$0x3FA4]  }
0x30: {  	s3 =	sld [smem:$0x3FA7]  }
0x31: {  	[smem:$0x3FB0] =	sst s10  }
0x32: {  	s10 =	sld [smem:$0x3FAE];
	_ =	sdelay $0x3  }
0x33: {  	p0 =	seq.s32 s10, $0x1;
	s10 =	sld [smem:$0x3FB0];
	_ =	sdelay $0x3  }
0x34: {  	[smem:$0x3FB0] =	sst s10  }
0x35: {  	s10 =	sld [smem:$0x3FAF];
	_ =	sdelay $0x3  }
0x36: {  	p1 =	seq.s32 s10, $0x1;
	s10 =	sld [smem:$0x3FB0];
	_ =	sdelay $0x3  }
0x37: {  	[smem:$0x3FB0] =	sst s10  }
0x38: {  	s10 =	sld [smem:$0x3FB1]  }
0x39: {  	_ = 	snop;
	(pc) =	sbr.ind lr, $3  }
0x3a: {  	_ = 	snop  }
0x3b: {  	_ = 	snop  }
0x3c: {  	p2 =	seq.s32 s10, $0x1;
	s10 =	sld [smem:$0x3FB0]  }
0x3d: {  	_ =	shalt  }
0x3e: {  	_ =	shalt  }
0x3f: {  	_ =	shalt  }
0x40: {  	_ =	shalt  }
0x41: {  	_ =	shalt  }
0x42: {  	_ =	shalt  }
0x43: {  	_ =	shalt  }
0x44: {  	_ =	shalt  }
0x45: {  	_ =	shalt  }
0x46: {  	_ =	shalt  }
0x47: {  	_ =	shalt  }
0x48: {  	_ =	shalt  }
0x49: {  	_ =	shalt  }
0x4a: {  	_ =	shalt  }
0x4b: {  	_ =	shalt  }
0x4c: {  	_ =	shalt  }
0x4d: {  	_ =	shalt  }
0x4e: {  	_ =	shalt  }
0x4f: {  	_ =	shalt  }
0x50: {  	_ =	shalt  }
0x51: {  	_ =	shalt  }
0x52: {  	_ =	shalt  }
0x53: {  	_ =	shalt  }
0x54: {  	_ =	shalt  }
0x55: {  	_ =	shalt  }
0x56: {  	_ =	shalt  }
0x57: {  	_ =	shalt  }
0x58: {  	_ =	shalt  }
0x59: {  	_ =	shalt  }
0x5a: {  	_ =	shalt  }
0x5b: {  	_ =	shalt  }
0x5c: {  	_ =	shalt  }
0x5d: {  	_ =	shalt  }
0x5e: {  	_ =	shalt  }
0x5f: {  	_ =	shalt  }
0x60: {  	_ =	shalt  }
0x61: {  	_ =	shalt  }
0x62: {  	_ =	shalt  }
0x63: {  	_ =	shalt  }
0x64: {  	_ =	shalt  }
0x65: {  	_ =	shalt  }
0x66: {  	_ =	shalt  }
0x67: {  	_ =	shalt  }
0x68: {  	_ =	shalt  }
0x69: {  	_ =	shalt  }
0x6a: {  	_ =	shalt  }
0x6b: {  	_ =	shalt  }
0x6c: {  	_ =	shalt  }
0x6d: {  	_ =	shalt  }
0x6e: {  	_ =	shalt  }
0x6f: {  	_ =	shalt  }
0x70: {  	_ =	shalt  }
0x71: {  	_ =	shalt  }
0x72: {  	_ =	shalt  }
0x73: {  	_ =	shalt  }
0x74: {  	_ =	shalt  }
0x75: {  	_ =	shalt  }
0x76: {  	_ =	shalt  }
0x77: {  	_ =	shalt  }
0x78: {  	_ =	shalt  }
0x79: {  	_ =	shalt  }
0x7a: {  	_ =	shalt  }
0x7b: {  	_ =	shalt  }
0x7c: {  	_ =	shalt  }
0x7d: {  	_ =	shalt  }
0x7e: {  	_ =	shalt  }
0x7f: {  	_ =	shalt  }
0x80: {  	_ =	shalt  }
0x81: {  	_ =	shalt  }
0x82: {  	_ =	shalt  }
0x83: {  	_ =	shalt  }
0x84: {  	_ =	shalt  }
0x85: {  	_ =	shalt  }
0x86: {  	_ =	shalt  }
0x87: {  	_ =	shalt  }
.Lfunc_end0:
.L_simem_size_0:
called_computation.1_lowered:
.L_overlay_start_0:
0x88: {  	s2 =	sld [smem:$0x3FD9]  }
0x89: {  	s3 =	sld [smem:$0x3FFE];
	_ =	sdelay $0x1  }
0x8a: {  	s1 =	srdreg.scid  }
0x8b: {  	s0 =	sand.u32 $0x1, s1  }
0x8c: {  	s17 =	sshll.u32 s0, $0xA;
	s2 =	sadd.s32 s3, s2  }
0x8d: {  	s2 =	sadd.s32 s2, s17  }
0x8e: {  	[smem:$0x3FBC] =	sst s2  }
0x8f: {  	_ = 	snop  }
0x90: {  	s18 =	sld [smem:$0x3FC9]  }
0x91: {  	s4 =	sld [smem:$0x3FC6];
	(tm) =	ssettm $0x1  }
0x92: {  	s19 =	sld [smem:$0x3FFB];
	_ =	sdelay $0x3  }
0x93: {  	_ =	strace s19  }
0x94: {  	s2 =	sld [smem:$0x3FFC];
	_ =	sdelay $0x3  }
0x95: {  	_ =	strace s2  }
0x96: {  	s2 =	sld [smem:$0x3FFD];
	_ =	sdelay $0x3  }
0x97: {  	_ =	strace s2  }
0x98: {  	_ =	strace $0x8FFFFFFF  }
0x99: {  	s20 =	sld [smem:$0x3FDB];
	_ =	sdelay $0x1  }
0x9a: {  	s5 =	simm.s32 $_scs_section_size  }
0x9b: {  	s6 =	simm.s32 $_size__tile_overlayer_lowered;
	s7 =	simm.s32 $_tile_overlayer_lowered  }
0x9c: {  	s8 =	simm.s32 $0x1BFF;
	s21 =	sshll.u32 s7, $0x1;
	s5 =	sadd.s32 s5, s20  }
0x9d: {  	s22 =	simm.s32 $0x0;
	s6 =	sshll.u32 s6, $0x1;
	s7 =	sadd.s32 s21, s5  }
0x9e: {  	[timem:s22], [sflag:s8] =	dma.local [hbm:s7], s6  }
0x9f: {  	_ =	swait.ge [sflag:s8], s6  }
0xa0: {  	s6 =	ssub.s32 $0x0, s6;
	[sflag:s8] =	ssyncset.done $0x0  }
0xa1: {  	[sflag:s8] =	ssyncadd.s32 s6;
	_ =	sdelay $0x1  }
0xa2: {  	s23 =	simm.s32 $0x1B8B  }
0xa3: {  	_ =	swait.ge [sflag:s23], $0x1  }
0xa4: {  	[sflag:s23] =	ssyncset.done $0x0  }
0xa5: {  	[sflag:s23] =	ssyncadd.s32 $0xFFFFFFFF  }
0xa6: {  	s6 =	sld [smem:$0x0]  }
0xa7: {  	s7 =	sand.u32 $0xFFFFFFFE, s1  }
0xa8: {  	p0 =	sne.s32 s1, s7  }
0xa9: {  	s7 =	sshll.u32 @p0 s7, $0xE  }
0xaa: {  	s7 =	sadd.s32 @p0 $0x11B8D, s7;
	s8 =	sshll.u32 @p0 s6, $0x11  }
0xab: {  	s7 =	sor.u32 @p0 s8, s7  }
0xac: {  	[sflag:s7] =	ssyncadd.remote.s32 @p0 $0x1;
	_ =	sdelay $0x1  }
0xad: {  	s7 =	simm.s32 @p0 $0x1B8D  }
0xae: {  	_ =	swait.eq @p0 [sflag:s7], $0x1  }
0xaf: {  	[sflag:s7] =	ssyncadd.s32 @p0 $0xFFFFFFFF  }
0xb0: {  	s8 =	sshll.u32 @!p0 s1, $0xE  }
0xb1: {  	s8 =	sor.u32 @!p0 $0x4000, s8;
	s7 =	simm.s32 @!p0 $0x1B8D  }
0xb2: {  	s6 =	sshll.u32 @!p0 s6, $0x11;
	s8 =	sadd.s32 @!p0 $0x11B8D, s8;
	_ =	swait.eq @!p0 [sflag:s7], $0x1  }
0xb3: {  	s6 =	sor.u32 @!p0 s6, s8;
	[sflag:s7] =	ssyncadd.s32 @!p0 $0xFFFFFFFF  }
0xb4: {  	s25 =	simm.s32 $0x1B8E;
	s24 =	sld [smem:$0x3FFE];
	[sflag:s6] =	ssyncadd.remote.s32 @!p0 $0x1  }
0xb5: {  	s26 =	simm.s32 $execute0_lowered;
	[smem:$0x3FD2] =	sst s25  }
0xb6: {  	s7 =	sshll.u32 s26, $0x1;
	_ =	strace $0x80000049;
	[dreg:$0x1] =	wrdreg $0xFFFFFFFF  }
0xb7: {  	s28 =	simm.s32 $_size_execute0_lowered;
	s5 =	sadd.s32 s5, s7;
	[dreg:$0x0] =	wrdreg $0x0  }
0xb8: {  	s7 =	sshll.u32 s28, $0x1;
	[dreg:$0x2] =	wrdreg s5  }
0xb9: {  	[dreg:$0x3] =	wrdreg s7  }
0xba: {  	[dreg:$0x4] =	wrdreg $0xC0  }
0xbb: {  	_ =	task [dreg:s22], $0x5FFFF  }
0xbc: {  	[dreg:$0x1] =	wrdreg $0xFFFFFFFF  }
0xbd: {  	[dreg:$0x0] =	wrdreg $0x60  }
0xbe: {  	[dreg:$0x2] =	wrdreg s18  }
0xbf: {  	[dreg:$0x3] =	wrdreg s4  }
0xc0: {  	[dreg:$0x4] =	wrdreg s24  }
0xc1: {  	[dreg:$0x5] =	wrdreg $0xA  }
0xc2: {  	_ =	task.clear_ibuf [dreg:s22], $0x6FFFF;
	_ =	strace $0x90000049  }
0xc3: {  	s29 =	simm.s32 $0xA;
	_ =	strace $0x8000004B  }
0xc4: {  	_ =	swait.ge [sflag:s29], $0x1  }
0xc5: {  	[sflag:s29] =	ssyncadd.s32 $0xFFFFFFFF  }
0xc6: {  	_ =	strace $0x9000004B  }
0xc7: {  	_ =	sfence  }
0xc8: {  	s30 =	sld [smem:$0x0];
	_ =	sdelay $0x2  }
0xc9: {  	s31 =	sshll.u32 s1, $0xD;
	s1 =	sshrl.u32 s1, $0x2  }
0xca: {  	s4 =	sand.u32 $0x4000, s31;
	s1 =	sadd.s32 s1, s30  }
0xcb: {  	s0 =	sor.u32 s4, s0;
	s1 =	sshll.u32 s1, $0x11  }
0xcc: {  	s0 =	sor.u32 s1, s0  }
0xcd: {  	s0 =	sadd.s32 $0x8F2B, s0  }
0xce: {  	[sflag:s0] =	ssyncadd.remote.s32 $0x1  }
0xcf: {  	_ =	sfence.sel $0xFFFF  }
0xd0: {  	[dreg:$0x0] =	wrdreg $0xFFFFFFFF;
	(pc) =	sbr.abs _section_cstart, $3  }
0xd1: {  	[dreg:$0x1] =	wrdreg $0xFFFFFFFF  }
0xd2: {  	_ =	task.clear_ibuf [dreg:s22], $0x2FFFF;
	_ =	strace $0x9FFFFFFF  }
0xd3: {  	(tm) =	ssettm $0x7FFFFFFF  }
tec
execute0_lowered:
.L_overlay_start_1:
0x0: {  	(tag) =	ssettag $0x1  }
0x1: {  	s3 =	rddreg [dreg:$0x0];
	s1 =	srdreg.scid  }
0x2: {  	s5 =	rddreg [dreg:$0x1];
	s0 =	stileid.u32;
	s26 =	sand.u32 $0x1, s1  }
0x3: {  	s21 =	rddreg [dreg:$0x2];
	s4 =	sshll.u32 s0, $0xA;
	s6 =	sshll.u32 s26, $0x9  }
0x4: {  	s2 =	simm.s32 $0x0;
	s1 =	rddreg [dreg:$0x3];
	s12 =	sor.u32 s6, s4  }
0x5: {  	[smem:$0x7FF] =	sst s2;
	s6 =	sshrl.u32 s12, $0x3  }
0x6: {  	_ =	strace $0x8000004A;
	s4 =	simm.s32 $0x5;
	s3 =	sadd.s32 s3, s6  }
0x7: {  	[tilespmem:s2], [sflag:$0x5] =	stream.linear.gather [hbm4b:s3+s2], $0x200, $0x38;
	[tilespmem:$0x10400] =	vst v63  }
0x8: {  	_ =	swait.ge [sflag:s4], $0x200  }
0x9: {  	[sflag:s4] =	ssyncset.done $0x0  }
0xa: {  	s5 =	sadd.s32 s5, s6;
	s6 =	simm.s32 $0x200;
	[sflag:s4] =	ssyncadd.s32 $0xFFFFFE00  }
0xb: {  	[tilespmem:s6], [sflag:$0x5] =	stream.linear.gather [hbm4b:s5+s2], $0x200, $0x38;
	[tilespmem:$0x10400] =	vst v63  }
0xc: {  	_ =	swait.ge [sflag:s4], $0x200  }
0xd: {  	s8 =	simm.s32 $0x80;
	[sflag:s4] =	ssyncset.done $0x0  }
0xe: {  	s9 =	simm.s32 $0x400;
	s7 =	sadd.s32 $0x390200, s21;
	[sflag:s4] =	ssyncadd.s32 $0xFFFFFE00  }
0xf: {  	[tilespmem:s9], [sflag:$0x1] =	stream.indirect.gather [hbm4b:s7+s8], $0x80, s2, s8, $0xb8;
	[tilespmem:$0x10400] =	vst v63  }
0x10: {  	s10 =	simm.s32 $0x4400;
	s11 =	simm.s32 $0x1  }
0x11: {  	[tilespmem:s10], [sflag:$0x1] =	stream.indirect.gather [hbm4b:s7+s8], $0x80, s8, s8, $0xb8;
	[tilespmem:$0x10400] =	vst v63  }
0x12: {  	_ =	swait.ge [sflag:s11], $0x4000  }
0x13: {  	[sflag:s11] =	ssyncset.done $0x0  }
0x14: {  	[sflag:s11] =	ssyncadd.s32 $0xFFFFC000  }
0x15: {  	_ =	swait.ge [sflag:s11], $0x4000  }
0x16: {  	s18 =	sadd.s32 $0x82A00, s21;
	s22 =	sshll.u32 s12, $0x4;
	[sflag:s11] =	ssyncset.done $0x0  }
0x17: {  	s12 =	sadd.s32 s18, s22;
	[sflag:s11] =	ssyncadd.s32 $0xFFFFC000  }
0x18: {  	[hbm4b:s12+s2] =	stream.linear.scatter [tilespmem:s9], [sflag:$0x3], $0x8000, $0x38;
	[tilespmem:$0x10400] =	vst v63  }
0x19: {  	s13 =	simm.s32 $0x100;
	s14 =	simm.s32 $0x8400  }
0x1a: {  	[tilespmem:s14], [sflag:$0x2] =	stream.indirect.gather [hbm4b:s7+s8], $0x80, s13, s8, $0xb8;
	[tilespmem:$0x10400] =	vst v63  }
0x1b: {  	s15 =	simm.s32 $0x180;
	s16 =	simm.s32 $0xC400;
	s17 =	simm.s32 $0x2  }
0x1c: {  	[tilespmem:s16], [sflag:$0x2] =	stream.indirect.gather [hbm4b:s7+s8], $0x80, s15, s8, $0xb8;
	[tilespmem:$0x10400] =	vst v63  }
0x1d: {  	_ =	swait.ge [sflag:s17], $0x4000  }
0x1e: {  	[sflag:s17] =	ssyncset.done $0x0  }
0x1f: {  	[sflag:s17] =	ssyncadd.s32 $0xFFFFC000  }
0x20: {  	_ =	swait.ge [sflag:s17], $0x4000  }
0x21: {  	s25 =	sor.u32 $0x1000, s22;
	[sflag:s17] =	ssyncset.done $0x0  }
0x22: {  	s19 =	simm.s32 $0x3;
	s18 =	sadd.s32 s18, s25;
	[sflag:s17] =	ssyncadd.s32 $0xFFFFC000  }
0x23: {  	[hbm4b:s18+s2] =	stream.linear.scatter [tilespmem:s14], [sflag:$0x4], $0x8000, $0x38;
	[tilespmem:$0x10400] =	vst v63  }
0x24: {  	_ =	swait.ge [sflag:s19], $0x8000  }
0x25: {  	[sflag:s19] =	ssyncset.done $0x0  }
0x26: {  	[sflag:s19] =	ssyncadd.s32 $0xFFFF8000  }
0x27: {  	[tilespmem:s9], [sflag:$0x1] =	stream.indirect.gather [hbm4b:s7+s8], $0x80, s6, s8, $0xb8;
	[tilespmem:$0x10400] =	vst v63  }
0x28: {  	s20 =	simm.s32 $0x280  }
0x29: {  	[tilespmem:s10], [sflag:$0x1] =	stream.indirect.gather [hbm4b:s7+s8], $0x80, s20, s8, $0xb8;
	[tilespmem:$0x10400] =	vst v63  }
0x2a: {  	_ =	swait.ge [sflag:s11], $0x4000  }
0x2b: {  	[sflag:s11] =	ssyncset.done $0x0  }
0x2c: {  	[sflag:s11] =	ssyncadd.s32 $0xFFFFC000  }
0x2d: {  	_ =	swait.ge [sflag:s11], $0x4000  }
0x2e: {  	s28 =	sadd.s32 $0xC2A00, s21;
	[sflag:s11] =	ssyncset.done $0x0  }
0x2f: {  	s21 =	simm.s32 $0x4;
	s22 =	sadd.s32 s28, s22;
	[sflag:s11] =	ssyncadd.s32 $0xFFFFC000  }
0x30: {  	[hbm4b:s22+s2] =	stream.linear.scatter [tilespmem:s9], [sflag:$0x3], $0x8000, $0x38;
	[tilespmem:$0x10400] =	vst v63  }
0x31: {  	_ =	swait.ge [sflag:s21], $0x8000  }
0x32: {  	[sflag:s21] =	ssyncset.done $0x0  }
0x33: {  	s23 =	simm.s32 $0x300;
	[sflag:s21] =	ssyncadd.s32 $0xFFFF8000  }
0x34: {  	[tilespmem:s14], [sflag:$0x2] =	stream.indirect.gather [hbm4b:s7+s8], $0x80, s23, s8, $0xb8;
	[tilespmem:$0x10400] =	vst v63  }
0x35: {  	s24 =	simm.s32 $0x380  }
0x36: {  	[tilespmem:s16], [sflag:$0x2] =	stream.indirect.gather [hbm4b:s7+s8], $0x80, s24, s8, $0xb8;
	[tilespmem:$0x10400] =	vst v63  }
0x37: {  	_ =	swait.ge [sflag:s17], $0x4000  }
0x38: {  	s26 =	ssub.s32 $0x2, s26;
	[sflag:s17] =	ssyncset.done $0x0  }
0x39: {  	s31 =	sshrl.u32 s26, $0x1;
	[sflag:s17] =	ssyncadd.s32 $0xFFFFC000  }
0x3a: {  	s26 =	ssub.s32 s26, s31;
	_ =	swait.ge [sflag:s17], $0x4000  }
0x3b: {  	s26 =	smax.u32 s26, $0x1;
	[sflag:s17] =	ssyncset.done $0x0  }
0x3c: {  	s25 =	sadd.s32 s28, s25;
	p0 =	sne.s32 s26, $0x1;
	[sflag:s17] =	ssyncadd.s32 $0xFFFFC000  }
0x3d: {  	[hbm4b:s25+s2] =	stream.linear.scatter [tilespmem:s14], [sflag:$0x4], $0x8000, $0x38;
	[tilespmem:$0x10400] =	vst v63  }
.Ltmp0:
0x3e: {  	_ =	swait.ge [sflag:s19], $0x8000;
	(pc) =	sbr.rel @!p0 .LBB2_2-.Ltmp0, $4  }
0x3f: {  	[sflag:s19] =	ssyncset.done $0x0  }
0x40: {  	[sflag:s19] =	ssyncadd.s32 $0xFFFF8000  }
0x41: {  	_ =	swait.ge [sflag:s21], $0x8000  }
0x42: {  	s26 =	sadd.s32 $0xFFFFFFFF, s26;
	[sflag:s21] =	ssyncset.done $0x0  }
.LBB2_1:
0x43: {  	p0 =	sne.s32 s26, $0x1;
	s26 =	sadd.s32 $0xFFFFFFFF, s26;
	[sflag:s21] =	ssyncadd.s32 $0xFFFF8000  }
0x44: {  	[tilespmem:s2], [sflag:$0x5] =	stream.linear.gather [hbm4b:s3+s2], $0x200, $0x38;
	[tilespmem:$0x10400] =	vst v63  }
0x45: {  	_ =	swait.ge [sflag:s4], $0x200  }
0x46: {  	[sflag:s4] =	ssyncset.done $0x0  }
0x47: {  	[sflag:s4] =	ssyncadd.s32 $0xFFFFFE00  }
0x48: {  	[tilespmem:s6], [sflag:$0x5] =	stream.linear.gather [hbm4b:s5+s2], $0x200, $0x38;
	[tilespmem:$0x10400] =	vst v63  }
0x49: {  	_ =	swait.ge [sflag:s4], $0x200  }
0x4a: {  	[sflag:s4] =	ssyncset.done $0x0  }
0x4b: {  	[sflag:s4] =	ssyncadd.s32 $0xFFFFFE00  }
0x4c: {  	[tilespmem:s9], [sflag:$0x1] =	stream.indirect.gather [hbm4b:s7+s8], $0x80, s2, s8, $0xb8;
	[tilespmem:$0x10400] =	vst v63  }
0x4d: {  	_ = 	snop  }
0x4e: {  	[tilespmem:s10], [sflag:$0x1] =	stream.indirect.gather [hbm4b:s7+s8], $0x80, s8, s8, $0xb8;
	[tilespmem:$0x10400] =	vst v63  }
0x4f: {  	_ =	swait.ge [sflag:s11], $0x4000  }
0x50: {  	[sflag:s11] =	ssyncset.done $0x0  }
0x51: {  	[sflag:s11] =	ssyncadd.s32 $0xFFFFC000  }
0x52: {  	_ =	swait.ge [sflag:s11], $0x4000  }
0x53: {  	[sflag:s11] =	ssyncset.done $0x0  }
0x54: {  	[sflag:s11] =	ssyncadd.s32 $0xFFFFC000  }
0x55: {  	[hbm4b:s12+s2] =	stream.linear.scatter [tilespmem:s9], [sflag:$0x3], $0x8000, $0x38;
	[tilespmem:$0x10400] =	vst v63  }
0x56: {  	_ = 	snop  }
0x57: {  	[tilespmem:s14], [sflag:$0x2] =	stream.indirect.gather [hbm4b:s7+s8], $0x80, s13, s8, $0xb8;
	[tilespmem:$0x10400] =	vst v63  }
0x58: {  	_ = 	snop  }
0x59: {  	[tilespmem:s16], [sflag:$0x2] =	stream.indirect.gather [hbm4b:s7+s8], $0x80, s15, s8, $0xb8;
	[tilespmem:$0x10400] =	vst v63  }
0x5a: {  	_ =	swait.ge [sflag:s17], $0x4000  }
0x5b: {  	[sflag:s17] =	ssyncset.done $0x0  }
0x5c: {  	[sflag:s17] =	ssyncadd.s32 $0xFFFFC000  }
0x5d: {  	_ =	swait.ge [sflag:s17], $0x4000  }
0x5e: {  	[sflag:s17] =	ssyncset.done $0x0  }
0x5f: {  	[sflag:s17] =	ssyncadd.s32 $0xFFFFC000  }
0x60: {  	[hbm4b:s18+s2] =	stream.linear.scatter [tilespmem:s14], [sflag:$0x4], $0x8000, $0x38;
	[tilespmem:$0x10400] =	vst v63  }
0x61: {  	_ =	swait.ge [sflag:s19], $0x8000  }
0x62: {  	[sflag:s19] =	ssyncset.done $0x0  }
0x63: {  	[sflag:s19] =	ssyncadd.s32 $0xFFFF8000  }
0x64: {  	[tilespmem:s9], [sflag:$0x1] =	stream.indirect.gather [hbm4b:s7+s8], $0x80, s6, s8, $0xb8;
	[tilespmem:$0x10400] =	vst v63  }
0x65: {  	_ = 	snop  }
0x66: {  	[tilespmem:s10], [sflag:$0x1] =	stream.indirect.gather [hbm4b:s7+s8], $0x80, s20, s8, $0xb8;
	[tilespmem:$0x10400] =	vst v63  }
0x67: {  	_ =	swait.ge [sflag:s11], $0x4000  }
0x68: {  	[sflag:s11] =	ssyncset.done $0x0  }
0x69: {  	[sflag:s11] =	ssyncadd.s32 $0xFFFFC000  }
0x6a: {  	_ =	swait.ge [sflag:s11], $0x4000  }
0x6b: {  	[sflag:s11] =	ssyncset.done $0x0  }
0x6c: {  	[sflag:s11] =	ssyncadd.s32 $0xFFFFC000  }
0x6d: {  	[hbm4b:s22+s2] =	stream.linear.scatter [tilespmem:s9], [sflag:$0x3], $0x8000, $0x38;
	[tilespmem:$0x10400] =	vst v63  }
0x6e: {  	_ =	swait.ge [sflag:s21], $0x8000  }
0x6f: {  	[sflag:s21] =	ssyncset.done $0x0  }
0x70: {  	[sflag:s21] =	ssyncadd.s32 $0xFFFF8000  }
0x71: {  	[tilespmem:s14], [sflag:$0x2] =	stream.indirect.gather [hbm4b:s7+s8], $0x80, s23, s8, $0xb8;
	[tilespmem:$0x10400] =	vst v63  }
0x72: {  	_ = 	snop  }
0x73: {  	[tilespmem:s16], [sflag:$0x2] =	stream.indirect.gather [hbm4b:s7+s8], $0x80, s24, s8, $0xb8;
	[tilespmem:$0x10400] =	vst v63  }
0x74: {  	_ =	swait.ge [sflag:s17], $0x4000  }
0x75: {  	[sflag:s17] =	ssyncset.done $0x0  }
0x76: {  	[sflag:s17] =	ssyncadd.s32 $0xFFFFC000  }
0x77: {  	_ =	swait.ge [sflag:s17], $0x4000  }
0x78: {  	[sflag:s17] =	ssyncset.done $0x0  }
0x79: {  	[sflag:s17] =	ssyncadd.s32 $0xFFFFC000  }
0x7a: {  	[hbm4b:s25+s2] =	stream.linear.scatter [tilespmem:s14], [sflag:$0x4], $0x8000, $0x38;
	[tilespmem:$0x10400] =	vst v63  }
.Ltmp1:
0x7b: {  	_ =	swait.ge [sflag:s19], $0x8000;
	(pc) =	sbr.rel @p0 .LBB2_1-.Ltmp1, $4  }
0x7c: {  	[sflag:s19] =	ssyncset.done $0x0  }
0x7d: {  	[sflag:s19] =	ssyncadd.s32 $0xFFFF8000  }
0x7e: {  	_ =	swait.ge [sflag:s21], $0x8000  }
0x7f: {  	[sflag:s21] =	ssyncset.done $0x0  }
.LBB2_2:
0x80: {  	[sflag:s21] =	ssyncadd.s32 $0xFFFF8000  }
0x81: {  	_ =	sfence.sel $0x180000  }
0x82: {  	[bflag:$0x0] =	sbarrier.arrive $0xFFFF  }
0x83: {  	p0 =	sne.s32 s0, $0x0;
	_ =	strace $0x9000004A  }
0x84: {  	s0 =	sadd.s32 @!p0 $0x100000, s1;
	[bflag:$0x2] =	sbarrier.arrive $0xFFFF  }
0x85: {  	[sflag:s0] =	ssyncadd.tile.s32 @!p0 $0x1;
	_ =	shalt  }
.Lfunc_end2:
_tile_overlayer_lowered:
.L_overlay_start_2:
0x86: {  	(tag) =	ssettag $0x2  }
0x87: {  	s0 =	rddreg [dreg:$0x0];
	s2 =	stileid.u32  }
0x88: {  	s1 =	rddreg [dreg:$0x1];
	p0 =	sne.s32 s2, $0x0  }
0x89: {  	s3 =	rddreg [dreg:$0x2];
	[bflag:$0x3] =	sbarrier.arrive $0xFFFF;
	s2 =	simm.s32 @!p0 $0x1C05  }
0x8a: {  	[timem:s3], [sflag:s2] =	dma.local @!p0 [hbm:s0], s1  }
0x8b: {  	s0 =	simm.s32 @!p0 $0x5  }
0x8c: {  	_ =	swait.ge @!p0 [sflag:s0], s1  }
0x8d: {  	s1 =	ssub.s32 @!p0 $0x0, s1;
	[sflag:s0] =	ssyncset.done @!p0 $0x0  }
0x8e: {  	[sflag:s0] =	ssyncadd.s32 @!p0 s1  }
0x8f: {  	[bflag:$0x3] =	sbarrier.arrive $0xFFFF  }
0x90: {  	_ =	shalt  }

</sc_bundles>
